<compile_context>
chip_gen: v7x
topology: tpu7x:2x2x1
jax: 0.10.2.dev20260603
libtpu: 0.0.44.dev20260713+nightly
codegen_flags: <defaults>
</compile_context>

<pallas_src>
import functools

import jax
import jax.numpy as jnp
from jax import lax
from jax.experimental import pallas as pl
from jax.experimental.pallas import tpu as pltpu, tpu_sc as plsc

N_EDGES = 160000
DIM = 256
NSEG = 10000
HALF = DIM // 2

BLK = 1280
CH = 80
N_TILES = 16

BLKS_A = 63
BLKS_B = (N_EDGES // BLK) - BLKS_A
E_A = BLKS_A * BLK
E_B = N_EDGES - E_A
CHUNKS_A = E_A // N_TILES // CH
CHUNKS_B = E_B // N_TILES // CH

ZROWS_BIG = 640
ZROWS_LAST = NSEG - 15 * ZROWS_BIG


def _tc_body(x_ref, a_ref, wv_ref, c_ref, bv_ref, d_ref, o_ref):
    x = x_ref[...]
    xb = x.astype(jnp.bfloat16)
    t = jnp.dot(xb, a_ref[...], preferred_element_type=jnp.float32)
    v = lax.dot_general(xb, wv_ref[...], (((1,), (1,)), ((), ())),
                        preferred_element_type=jnp.float32)
    y = (x * (t + c_ref[...])).astype(jnp.bfloat16)
    ones = jnp.ones((DIM, 8), jnp.bfloat16)
    s = jnp.dot(y, ones, preferred_element_type=jnp.float32)[:, :1]
    w = 1.0 / (1.0 + jnp.exp(-(s + d_ref[...])))
    msg = (v + bv_ref[...]) * w
    o_ref[0] = msg[:, :HALF]
    o_ref[1] = msg[:, HALF:]


def _edge_messages(x, A, Wv, c, bv, d0, n_blocks, blk_off):
    return pl.pallas_call(
        _tc_body,
        grid=(n_blocks,),
        in_specs=[
            pl.BlockSpec((BLK, DIM), lambda i: (i + blk_off, 0)),
            pl.BlockSpec((DIM, DIM), lambda i: (0, 0)),
            pl.BlockSpec((DIM, DIM), lambda i: (0, 0)),
            pl.BlockSpec((1, DIM), lambda i: (0, 0)),
            pl.BlockSpec((1, DIM), lambda i: (0, 0)),
            pl.BlockSpec((1, 1), lambda i: (0, 0)),
        ],
        out_specs=pl.BlockSpec((2, BLK, HALF), lambda i: (0, i, 0)),
        out_shape=jax.ShapeDtypeStruct((2, n_blocks * BLK, HALF), jnp.float32),
    )(x, A, Wv, c, bv, d0)


def _sc_stage(msg_hbm, idx_hbm, src, out_hbm, idx_all, msg_v, acc,
              sem0, sem1, *, n_chunks, init_from_src):
    cid = lax.axis_index("c")
    sid = lax.axis_index("s")
    col0 = cid * HALF
    base_row = sid * ZROWS_BIG
    ept = n_chunks * CH
    base_e = cid * (N_TILES * ept) + sid * ept

    if init_from_src:
        @pl.when(sid < 15)
        def _():
            pltpu.sync_copy(
                src.at[pl.ds(base_row, ZROWS_BIG), pl.ds(col0, HALF)],
                acc.at[pl.ds(base_row, ZROWS_BIG), :])

        @pl.when(sid == 15)
        def _():
            pltpu.sync_copy(
                src.at[pl.ds(base_row, ZROWS_LAST), pl.ds(col0, HALF)],
                acc.at[pl.ds(base_row, ZROWS_LAST), :])
    else:
        def zero_vmem(i, _):
            r = i // (HALF // 16)
            c0 = (i % (HALF // 16)) * 16
            msg_v[0, r, pl.ds(c0, 16)] = jnp.zeros((16,), jnp.float32)
            return 0
        lax.fori_loop(0, CH * (HALF // 16), zero_vmem, 0)

        my_rows = jnp.where(sid < 15, ZROWS_BIG, ZROWS_LAST)

        def zero_acc(i, _):
            pltpu.sync_copy(msg_v.at[0], acc.at[pl.ds(base_row + i * CH, CH), :])
            return 0
        lax.fori_loop(0, my_rows // CH, zero_acc, 0)

    pltpu.sync_copy(idx_hbm.at[sid], idx_all)

    plsc.subcore_barrier()

    def start(j, buf, sem):
        return pltpu.async_copy(
            msg_hbm.at[pl.ds(base_e + j * CH, CH), :], msg_v.at[buf], sem)

    def wait(j, buf, sem):
        pltpu.make_async_copy(
            msg_hbm.at[pl.ds(base_e + j * CH, CH), :], msg_v.at[buf], sem
        ).wait()

    def scatter(j, buf):
        pltpu.sync_copy(msg_v.at[buf], acc.at[idx_all.at[j]], add=True)

    start(0, 0, sem0)

    def pair(p, _):
        j0 = 2 * p
        start(j0 + 1, 1, sem1)
        wait(j0, 0, sem0)
        scatter(j0, 0)
        start(j0 + 2, 0, sem0)
        wait(j0 + 1, 1, sem1)
        scatter(j0 + 1, 1)
        return 0
    lax.fori_loop(0, (n_chunks - 1) // 2, pair, 0)

    if n_chunks % 2 == 1:
        wait(n_chunks - 1, 0, sem0)
        scatter(n_chunks - 1, 0)
    else:
        wait(n_chunks - 2, 0, sem0)
        scatter(n_chunks - 2, 0)
        pltpu.sync_copy(
            msg_hbm.at[pl.ds(base_e + (n_chunks - 1) * CH, CH), :],
            msg_v.at[1])
        scatter(n_chunks - 1, 1)

    plsc.subcore_barrier()

    @pl.when(sid < 15)
    def _():
        pltpu.sync_copy(
            acc.at[pl.ds(base_row, ZROWS_BIG), :],
            out_hbm.at[pl.ds(base_row, ZROWS_BIG), pl.ds(col0, HALF)],
        )

    @pl.when(sid == 15)
    def _():
        pltpu.sync_copy(
            acc.at[pl.ds(base_row, ZROWS_LAST), :],
            out_hbm.at[pl.ds(base_row, ZROWS_LAST), pl.ds(col0, HALF)],
        )


def _segment_sum_stage(msg2, idx3d, partial, n_chunks):
    mesh = plsc.VectorSubcoreMesh(core_axis_name="c", subcore_axis_name="s")
    init_from_src = partial is not None
    scratch = [
        pltpu.VMEM((n_chunks, CH), jnp.int32),
        pltpu.VMEM((2, CH, HALF), jnp.float32),
        pltpu.VMEM_SHARED((NSEG, HALF), jnp.float32),
        pltpu.SemaphoreType.DMA,
        pltpu.SemaphoreType.DMA,
    ]
    body = functools.partial(_sc_stage, n_chunks=n_chunks,
                             init_from_src=init_from_src)

    if init_from_src:
        @functools.partial(
            pl.kernel, mesh=mesh,
            out_type=jax.ShapeDtypeStruct((NSEG, DIM), jnp.float32),
            scratch_types=scratch)
        def run(msg_hbm, idx_hbm, src_hbm, out_hbm, *rest):
            body(msg_hbm, idx_hbm, src_hbm, out_hbm, *rest)
        return run(msg2, idx3d, partial)
    else:
        @functools.partial(
            pl.kernel, mesh=mesh,
            out_type=jax.ShapeDtypeStruct((NSEG, DIM), jnp.float32),
            scratch_types=scratch)
        def run(msg_hbm, idx_hbm, out_hbm, *rest):
            body(msg_hbm, idx_hbm, None, out_hbm, *rest)
        return run(msg2, idx3d)


def kernel(x, index, dim_size, Wq, bq, Wk, bk, Wv, bv):
    A = lax.dot_general(Wq, Wk, (((0,), (0,)), ((), ())))
    c = (Wq.T @ bk + Wk.T @ bq).reshape(1, DIM)
    d0 = jnp.dot(bq, bk).reshape(1, 1)
    bv2 = bv.reshape(1, DIM)
    Ab = A.astype(jnp.bfloat16)
    Wvb = Wv.astype(jnp.bfloat16)

    idx = jnp.minimum(index, dim_size - 1).astype(jnp.int32)
    idxA = idx[:E_A].reshape(N_TILES, CHUNKS_A, CH)
    idxB = idx[E_A:].reshape(N_TILES, CHUNKS_B, CH)

    msgA = _edge_messages(x, Ab, Wvb, c, bv2, d0, BLKS_A, 0)
    partial = _segment_sum_stage(msgA.reshape(2 * E_A, HALF), idxA, None,
                                 CHUNKS_A)
    msgB = _edge_messages(x, Ab, Wvb, c, bv2, d0, BLKS_B, BLKS_A)
    out = _segment_sum_stage(msgB.reshape(2 * E_B, HALF), idxB, partial,
                             CHUNKS_B)
    return out

# --- scband reference (transcript-rebuilt; emitter-appended) ---
"""Pipeline reference for scband-attention-aggregation-14104672600362 (READ-ONLY COPY).

The authoritative reference and input builder live on the scoring server;
editing this copy changes nothing except your own understanding.
"""

import jax, jax.numpy as jnp
import numpy as np

N_EDGES = 160000
DIM = 256
DIM_SIZE = 10000

def setup_inputs(seed: int = 0) -> dict:
    key = jax.random.key(seed)
    ks = jax.random.split(key, 8)
    x = jax.random.normal(ks[0], (N_EDGES, DIM), dtype=jnp.float32)
    index = jnp.sort(jax.random.randint(ks[1], (N_EDGES,), 0, DIM_SIZE, dtype=jnp.int64))
    dim_size = DIM_SIZE
    s = 1.0 / np.sqrt(DIM)
    Wq = jax.random.uniform(ks[2], (DIM, DIM), dtype=jnp.float32, minval=-s, maxval=s)
    bq = jax.random.uniform(ks[3], (DIM,), dtype=jnp.float32, minval=-s, maxval=s)
    Wk = jax.random.uniform(ks[4], (DIM, DIM), dtype=jnp.float32, minval=-s, maxval=s)
    bk = jax.random.uniform(ks[5], (DIM,), dtype=jnp.float32, minval=-s, maxval=s)
    Wv = jax.random.uniform(ks[6], (DIM, DIM), dtype=jnp.float32, minval=-s, maxval=s)
    bv = jax.random.uniform(ks[7], (DIM,), dtype=jnp.float32, minval=-s, maxval=s)
    return {"x": x, "index": index, "dim_size": dim_size, "Wq": Wq, "bq": bq, "Wk": Wk, "bk": bk, "Wv": Wv, "bv": bv}

def reference(x, index, dim_size, Wq, bq, Wk, bk, Wv, bv):
    Q = x @ Wq.T + bq
    K = x @ Wk.T + bk
    V = x @ Wv.T + bv
    attn_weights = jax.nn.sigmoid(jnp.sum(K * Q, axis=-1, keepdims=True))
    weighted_msg = V * attn_weights
    index = jnp.minimum(index, dim_size - 1)
    out = jax.ops.segment_sum(weighted_msg, index, num_segments=DIM_SIZE)
    return out

if __name__ == "__main__":
    import jax
    _d = setup_inputs()
    print(jax.jit(kernel)(*tuple(_d.values())))

</pallas_src>

<mosaic_0001>
#map = affine_map<(d0, d1) -> (0, 0)>
#map1 = affine_map<(d0, d1) -> (0, 0, 0)>
module attributes {stable_mosaic.version = 14 : i64} {
  func.func @run(%arg0: i32, %arg1: i32, %arg2: memref<161280x128xf32, #tpu.memory_space<hbm>>, %arg3: memref<16x63x80xi32, #tpu.memory_space<hbm>>, %arg4: memref<10000x256xf32, #tpu.memory_space<hbm>>, %arg5: memref<63x80xi32, #tpu.memory_space<vmem>>, %arg6: memref<2x80x128xf32, #tpu.memory_space<vmem>>, %arg7: memref<10000x128xf32, #tpu.memory_space<vmem_shared>>, %arg8: memref<!tpu.dma_semaphore, #tpu.memory_space<semaphore_mem>>, %arg9: memref<!tpu.dma_semaphore, #tpu.memory_space<semaphore_mem>>) attributes {dimension_semantics = [#tpu.dimension_semantics<core_parallel>, #tpu.dimension_semantics<subcore_parallel>], iteration_bounds = array<i64: 2, 16>, scalar_prefetch = 0 : i64, scratch_operands = 5 : i64, tpu.core_type = #tpu.core_type<sc_vector_subcore>, window_params = [{transform_indices = #map}, {transform_indices = #map1}, {transform_indices = #map}]} {
    %mul3A = arith.constant 128 : i32
    %mul3A_0 = arith.muli %arg0, %mul3A : i32
    %mul3A_1 = arith.constant 640 : i32
    %mul3A_2 = arith.muli %arg1, %mul3A_1 : i32
    %mul3A_3 = arith.constant 80640 : i32
    %mul3A_4 = arith.muli %arg0, %mul3A_3 : i32
    %mul3A_5 = arith.constant 5040 : i32
    %mul3A_6 = arith.muli %arg1, %mul3A_5 : i32
    %add3A = arith.addi %mul3A_4, %mul3A_6 : i32
    %scan3A = arith.constant 0 : i32
    %scan3A_7 = arith.constant 0 : i32
    %scan3A_8 = arith.constant 640 : i32
    %scan3A_9 = arith.addi %scan3A_7, %scan3A_8 : i32
    %scan3A_10 = arith.constant 1 : i32
    %scan3A_11 = scf.for %scan3A_88 = %scan3A_7 to %scan3A_9 step %scan3A_10 iter_args(%scan3A_89 = %scan3A) -> (i32)  : i32 {
      %jit3A_90 = arith.constant 8 : i32
      %div3A_91 = arith.divsi %scan3A_88, %jit3A_90 : i32
      %sign3A_92 = arith.constant 0 : i32
      %sign3A_93 = arith.cmpi sgt, %scan3A_88, %sign3A_92 : i32
      %sign3A_94 = arith.extui %sign3A_93 : i1 to i32
      %sign3A_95 = arith.constant 0 : i32
      %sign3A_96 = arith.cmpi slt, %scan3A_88, %sign3A_95 : i32
      %sign3A_97 = arith.extui %sign3A_96 : i1 to i32
      %sign3A_98 = arith.subi %sign3A_94, %sign3A_97 : i32
      %sign3A_99 = arith.constant 0 : i32
      %sign3A_100 = arith.cmpi sgt, %jit3A_90, %sign3A_99 : i32
      %sign3A_101 = arith.extui %sign3A_100 : i1 to i32
      %sign3A_102 = arith.constant 0 : i32
      %sign3A_103 = arith.cmpi slt, %jit3A_90, %sign3A_102 : i32
      %sign3A_104 = arith.extui %sign3A_103 : i1 to i32
      %sign3A_105 = arith.subi %sign3A_101, %sign3A_104 : i32
      %ne3A_106 = arith.cmpi ne, %sign3A_98, %sign3A_105 : i32
      %rem3A_107 = arith.remsi %scan3A_88, %jit3A_90 : i32
      %ne3A_108 = arith.constant 0 : i32
      %ne3A_109 = arith.cmpi ne, %rem3A_107, %ne3A_108 : i32
      %and3A_110 = arith.andi %ne3A_106, %ne3A_109 : i1
      %sub3A_111 = arith.constant 1 : i32
      %sub3A_112 = arith.subi %div3A_91, %sub3A_111 : i32
      %select_n3A_113 = arith.select %and3A_110, %sub3A_112, %div3A_91 : i32
      %jit3A_114 = arith.constant 8 : i32
      %eq3A_115 = arith.constant 0 : i32
      %eq3A_116 = arith.cmpi eq, %jit3A_114, %eq3A_115 : i32
      %jit3A_117 = arith.constant 1 : i32
      %select_n3A_118 = arith.select %eq3A_116, %jit3A_117, %jit3A_114 : i32
      %rem3A_119 = arith.remsi %scan3A_88, %select_n3A_118 : i32
      %ne3A_120 = arith.constant 0 : i32
      %ne3A_121 = arith.cmpi ne, %rem3A_119, %ne3A_120 : i32
      %lt3A_122 = arith.constant 0 : i32
      %lt3A_123 = arith.cmpi slt, %rem3A_119, %lt3A_122 : i32
      %lt3A_124 = arith.constant 0 : i32
      %lt3A_125 = arith.cmpi slt, %select_n3A_118, %lt3A_124 : i32
      %ne3A_126 = arith.xori %lt3A_123, %lt3A_125 : i1
      %and3A_127 = arith.andi %ne3A_126, %ne3A_121 : i1
      %add3A_128 = arith.addi %rem3A_119, %select_n3A_118 : i32
      %select_n3A_129 = arith.select %and3A_127, %add3A_128, %rem3A_119 : i32
      %mul3A_130 = arith.constant 16 : i32
      %mul3A_131 = arith.muli %select_n3A_129, %mul3A_130 : i32
      %broadcast_in_dim3A = arith.constant 0.000000e+00 : f32
      %broadcast_in_dim3A_132 = vector.broadcast %broadcast_in_dim3A : f32 to vector<16xf32>
      %swap3A = arith.constant 0 : i32
      %swap3A_133 = arith.index_cast %swap3A : i32 to index
      %swap3A_134 = arith.index_cast %select_n3A_113 : i32 to index
      %swap3A_135 = arith.index_cast %mul3A_131 : i32 to index
      %swap3A_136 = tpu.vector_load %arg6[%swap3A_133, %swap3A_134, %swap3A_135] {strides = array<i32>} : memref<2x80x128xf32, #tpu.memory_space<vmem>>, vector<1x1x16xf32>,
      %swap3A_137 = vector.shape_cast %swap3A_136 : vector<1x1x16xf32> to vector<16xf32>
      %swap3A_138 = vector.shape_cast %broadcast_in_dim3A_132 : vector<16xf32> to vector<1x1x16xf32>
      tpu.vector_store %arg6[%swap3A_133, %swap3A_134, %swap3A_135], %swap3A_138 {strides = array<i32>} : memref<2x80x128xf32, #tpu.memory_space<vmem>>, vector<1x1x16xf32>,
      %scan3A_139 = arith.constant 0 : i32
      scf.yield %scan3A_139 : i32
    }
    %scan3A_12 = arith.constant 640 : i32
    %lt3A = arith.constant 15 : i32
    %lt3A_13 = arith.cmpi slt, %arg1, %lt3A : i32
    %jit3A = arith.constant 640 : i32
    %jit3A_14 = arith.constant 400 : i32
    %select_n3A = arith.select %lt3A_13, %jit3A, %jit3A_14 : i32
    %jit3A_15 = arith.constant 80 : i32
    %div3A = arith.divsi %select_n3A, %jit3A_15 : i32
    %sign3A = arith.constant 0 : i32
    %sign3A_16 = arith.cmpi sgt, %select_n3A, %sign3A : i32
    %sign3A_17 = arith.extui %sign3A_16 : i1 to i32
    %sign3A_18 = arith.constant 0 : i32
    %sign3A_19 = arith.cmpi slt, %select_n3A, %sign3A_18 : i32
    %sign3A_20 = arith.extui %sign3A_19 : i1 to i32
    %sign3A_21 = arith.subi %sign3A_17, %sign3A_20 : i32
    %sign3A_22 = arith.constant 0 : i32
    %sign3A_23 = arith.cmpi sgt, %jit3A_15, %sign3A_22 : i32
    %sign3A_24 = arith.extui %sign3A_23 : i1 to i32
    %sign3A_25 = arith.constant 0 : i32
    %sign3A_26 = arith.cmpi slt, %jit3A_15, %sign3A_25 : i32
    %sign3A_27 = arith.extui %sign3A_26 : i1 to i32
    %sign3A_28 = arith.subi %sign3A_24, %sign3A_27 : i32
    %ne3A = arith.cmpi ne, %sign3A_21, %sign3A_28 : i32
    %rem3A = arith.remsi %select_n3A, %jit3A_15 : i32
    %ne3A_29 = arith.constant 0 : i32
    %ne3A_30 = arith.cmpi ne, %rem3A, %ne3A_29 : i32
    %and3A = arith.andi %ne3A, %ne3A_30 : i1
    %sub3A = arith.constant 1 : i32
    %sub3A_31 = arith.subi %div3A, %sub3A : i32
    %select_n3A_32 = arith.select %and3A, %sub3A_31, %div3A : i32
    %while3A = arith.constant 0 : i32
    %while3A_33 = arith.constant 0 : i32
    %while3A_34 = arith.subi %select_n3A_32, %while3A : i32
    %while3A_35 = arith.addi %while3A, %while3A_34 : i32
    %while3A_36 = arith.constant 1 : i32
    %while3A_37 = arith.divsi %while3A_34, %while3A_36 : i32
    %while3A_38 = arith.muli %while3A_37, %while3A_36 : i32
    %while3A_39 = arith.addi %while3A, %while3A_38 : i32
    %while3A_40 = arith.constant 1 : i32
    %while3A_41 = scf.for %while3A_88 = %while3A to %while3A_39 step %while3A_40 iter_args(%while3A_89 = %while3A_33) -> (i32)  : i32 {
      %mul3A_90 = arith.constant 80 : i32
      %mul3A_91 = arith.muli %while3A_88, %mul3A_90 : i32
      %add3A_92 = arith.addi %mul3A_2, %mul3A_91 : i32
      %run_scoped3A_93 = arith.constant 0 : i32
      "tpu.region"() ({
        %run_scoped3A_95 = tpu.sem_alloc : memref<!tpu.dma_semaphore, #tpu.memory_space<semaphore_mem>>
        %dma_start3A_96 = arith.constant 0 : i32
        %dma_start3A_97 = arith.constant 0 : i32
        %dma_start3A_98 = tpu.memref_slice %arg6[%run_scoped3A_93, %dma_start3A_96, %dma_start3A_97] : memref<2x80x128xf32, #tpu.memory_space<vmem>> -> memref<1x80x128xf32, #tpu.memory_space<vmem>>
        %dma_start3A_99 = tpu.memref_squeeze %dma_start3A_98 : memref<1x80x128xf32, #tpu.memory_space<vmem>> -> memref<80x128xf32, #tpu.memory_space<vmem>>
        %dma_start3A_100 = arith.constant 0 : i32
        %dma_start3A_101 = tpu.memref_slice %arg7[%add3A_92, %dma_start3A_100] : memref<10000x128xf32, #tpu.memory_space<vmem_shared>> -> memref<80x128xf32, #tpu.memory_space<vmem_shared>>
        %dma_start3A_102 = arith.constant 0 : i32
        %dma_start3A_103 = tpu.memref_slice %arg7[%add3A_92, %dma_start3A_102] : memref<10000x128xf32, #tpu.memory_space<vmem_shared>> -> memref<80x128xf32, #tpu.memory_space<vmem_shared>>
        %dma_start3A_104 = arith.constant 0 : i32
        %dma_start3A_105 = arith.constant 0 : i32
        %dma_start3A_106 = tpu.memref_slice %arg6[%run_scoped3A_93, %dma_start3A_104, %dma_start3A_105] : memref<2x80x128xf32, #tpu.memory_space<vmem>> -> memref<1x80x128xf32, #tpu.memory_space<vmem>>
        %dma_start3A_107 = tpu.memref_squeeze %dma_start3A_106 : memref<1x80x128xf32, #tpu.memory_space<vmem>> -> memref<80x128xf32, #tpu.memory_space<vmem>>
        tpu.enqueue_dma source(%dma_start3A_107 : memref<80x128xf32, #tpu.memory_space<vmem>>) target(%dma_start3A_103 : memref<80x128xf32, #tpu.memory_space<vmem_shared>>) target_semaphore(%run_scoped3A_95 : memref<!tpu.dma_semaphore, #tpu.memory_space<semaphore_mem>>)
        %dma_wait3A_108 = arith.constant 0 : i32
        %dma_wait3A_109 = arith.constant 0 : i32
        %dma_wait3A_110 = tpu.memref_slice %arg6[%run_scoped3A_93, %dma_wait3A_108, %dma_wait3A_109] : memref<2x80x128xf32, #tpu.memory_space<vmem>> -> memref<1x80x128xf32, #tpu.memory_space<vmem>>
        %dma_wait3A_111 = tpu.memref_squeeze %dma_wait3A_110 : memref<1x80x128xf32, #tpu.memory_space<vmem>> -> memref<80x128xf32, #tpu.memory_space<vmem>>
        %dma_wait3A_112 = arith.constant 0 : i32
        %dma_wait3A_113 = tpu.memref_slice %arg7[%add3A_92, %dma_wait3A_112] : memref<10000x128xf32, #tpu.memory_space<vmem_shared>> -> memref<80x128xf32, #tpu.memory_space<vmem_shared>>
        %dma_wait3A_114 = arith.constant 0 : i32
        %dma_wait3A_115 = tpu.memref_slice %arg7[%add3A_92, %dma_wait3A_114] : memref<10000x128xf32, #tpu.memory_space<vmem_shared>> -> memref<80x128xf32, #tpu.memory_space<vmem_shared>>
        %dma_wait3A_116 = arith.constant 0 : i32
        %dma_wait3A_117 = arith.constant 0 : i32
        %dma_wait3A_118 = tpu.memref_slice %arg6[%run_scoped3A_93, %dma_wait3A_116, %dma_wait3A_117] : memref<2x80x128xf32, #tpu.memory_space<vmem>> -> memref<1x80x128xf32, #tpu.memory_space<vmem>>
        %dma_wait3A_119 = tpu.memref_squeeze %dma_wait3A_118 : memref<1x80x128xf32, #tpu.memory_space<vmem>> -> memref<80x128xf32, #tpu.memory_space<vmem>>
        tpu.wait_dma2 semaphore(%run_scoped3A_95 : memref<!tpu.dma_semaphore, #tpu.memory_space<semaphore_mem>>) src(%dma_wait3A_119 : memref<80x128xf32, #tpu.memory_space<vmem>>) dst(%dma_wait3A_115 : memref<80x128xf32, #tpu.memory_space<vmem_shared>>)
        tpu.yield
      }) : () -> ()
      %while3A_94 = arith.constant 0 : i32
      scf.yield %while3A_94 : i32
    }
    %while3A_42 = arith.constant 1 : i32
    %while3A_43 = scf.for %while3A_88 = %while3A_39 to %while3A_35 step %while3A_42 iter_args(%while3A_89 = %while3A_41) -> (i32)  : i32 {
      %mul3A_90 = arith.constant 80 : i32
      %mul3A_91 = arith.muli %while3A_88, %mul3A_90 : i32
      %add3A_92 = arith.addi %mul3A_2, %mul3A_91 : i32
      %run_scoped3A_93 = arith.constant 0 : i32
      "tpu.region"() ({
        %run_scoped3A_95 = tpu.sem_alloc : memref<!tpu.dma_semaphore, #tpu.memory_space<semaphore_mem>>
        %dma_start3A_96 = arith.constant 0 : i32
        %dma_start3A_97 = arith.constant 0 : i32
        %dma_start3A_98 = tpu.memref_slice %arg6[%run_scoped3A_93, %dma_start3A_96, %dma_start3A_97] : memref<2x80x128xf32, #tpu.memory_space<vmem>> -> memref<1x80x128xf32, #tpu.memory_space<vmem>>
        %dma_start3A_99 = tpu.memref_squeeze %dma_start3A_98 : memref<1x80x128xf32, #tpu.memory_space<vmem>> -> memref<80x128xf32, #tpu.memory_space<vmem>>
        %dma_start3A_100 = arith.constant 0 : i32
        %dma_start3A_101 = tpu.memref_slice %arg7[%add3A_92, %dma_start3A_100] : memref<10000x128xf32, #tpu.memory_space<vmem_shared>> -> memref<80x128xf32, #tpu.memory_space<vmem_shared>>
        %dma_start3A_102 = arith.constant 0 : i32
        %dma_start3A_103 = tpu.memref_slice %arg7[%add3A_92, %dma_start3A_102] : memref<10000x128xf32, #tpu.memory_space<vmem_shared>> -> memref<80x128xf32, #tpu.memory_space<vmem_shared>>
        %dma_start3A_104 = arith.constant 0 : i32
        %dma_start3A_105 = arith.constant 0 : i32
        %dma_start3A_106 = tpu.memref_slice %arg6[%run_scoped3A_93, %dma_start3A_104, %dma_start3A_105] : memref<2x80x128xf32, #tpu.memory_space<vmem>> -> memref<1x80x128xf32, #tpu.memory_space<vmem>>
        %dma_start3A_107 = tpu.memref_squeeze %dma_start3A_106 : memref<1x80x128xf32, #tpu.memory_space<vmem>> -> memref<80x128xf32, #tpu.memory_space<vmem>>
        tpu.enqueue_dma source(%dma_start3A_107 : memref<80x128xf32, #tpu.memory_space<vmem>>) target(%dma_start3A_103 : memref<80x128xf32, #tpu.memory_space<vmem_shared>>) target_semaphore(%run_scoped3A_95 : memref<!tpu.dma_semaphore, #tpu.memory_space<semaphore_mem>>)
        %dma_wait3A_108 = arith.constant 0 : i32
        %dma_wait3A_109 = arith.constant 0 : i32
        %dma_wait3A_110 = tpu.memref_slice %arg6[%run_scoped3A_93, %dma_wait3A_108, %dma_wait3A_109] : memref<2x80x128xf32, #tpu.memory_space<vmem>> -> memref<1x80x128xf32, #tpu.memory_space<vmem>>
        %dma_wait3A_111 = tpu.memref_squeeze %dma_wait3A_110 : memref<1x80x128xf32, #tpu.memory_space<vmem>> -> memref<80x128xf32, #tpu.memory_space<vmem>>
        %dma_wait3A_112 = arith.constant 0 : i32
        %dma_wait3A_113 = tpu.memref_slice %arg7[%add3A_92, %dma_wait3A_112] : memref<10000x128xf32, #tpu.memory_space<vmem_shared>> -> memref<80x128xf32, #tpu.memory_space<vmem_shared>>
        %dma_wait3A_114 = arith.constant 0 : i32
        %dma_wait3A_115 = tpu.memref_slice %arg7[%add3A_92, %dma_wait3A_114] : memref<10000x128xf32, #tpu.memory_space<vmem_shared>> -> memref<80x128xf32, #tpu.memory_space<vmem_shared>>
        %dma_wait3A_116 = arith.constant 0 : i32
        %dma_wait3A_117 = arith.constant 0 : i32
        %dma_wait3A_118 = tpu.memref_slice %arg6[%run_scoped3A_93, %dma_wait3A_116, %dma_wait3A_117] : memref<2x80x128xf32, #tpu.memory_space<vmem>> -> memref<1x80x128xf32, #tpu.memory_space<vmem>>
        %dma_wait3A_119 = tpu.memref_squeeze %dma_wait3A_118 : memref<1x80x128xf32, #tpu.memory_space<vmem>> -> memref<80x128xf32, #tpu.memory_space<vmem>>
        tpu.wait_dma2 semaphore(%run_scoped3A_95 : memref<!tpu.dma_semaphore, #tpu.memory_space<semaphore_mem>>) src(%dma_wait3A_119 : memref<80x128xf32, #tpu.memory_space<vmem>>) dst(%dma_wait3A_115 : memref<80x128xf32, #tpu.memory_space<vmem_shared>>)
        tpu.yield
      }) : () -> ()
      %while3A_94 = arith.constant 0 : i32
      scf.yield %while3A_94 : i32
    }
    "tpu.region"() ({
      %run_scoped3A_88 = tpu.sem_alloc : memref<!tpu.dma_semaphore, #tpu.memory_space<semaphore_mem>>
      %dma_start3A_89 = arith.constant 0 : i32
      %dma_start3A_90 = arith.constant 0 : i32
      %dma_start3A_91 = tpu.memref_slice %arg3[%arg1, %dma_start3A_89, %dma_start3A_90] : memref<16x63x80xi32, #tpu.memory_space<hbm>> -> memref<1x63x80xi32, #tpu.memory_space<hbm>>
      %dma_start3A_92 = tpu.memref_squeeze %dma_start3A_91 : memref<1x63x80xi32, #tpu.memory_space<hbm>> -> memref<63x80xi32, #tpu.memory_space<hbm>>
      %dma_start3A_93 = arith.constant 0 : i32
      %dma_start3A_94 = arith.constant 0 : i32
      %dma_start3A_95 = tpu.memref_slice %arg3[%arg1, %dma_start3A_93, %dma_start3A_94] : memref<16x63x80xi32, #tpu.memory_space<hbm>> -> memref<1x63x80xi32, #tpu.memory_space<hbm>>
      %dma_start3A_96 = tpu.memref_squeeze %dma_start3A_95 : memref<1x63x80xi32, #tpu.memory_space<hbm>> -> memref<63x80xi32, #tpu.memory_space<hbm>>
      tpu.enqueue_dma source(%dma_start3A_96 : memref<63x80xi32, #tpu.memory_space<hbm>>) target(%arg5 : memref<63x80xi32, #tpu.memory_space<vmem>>) target_semaphore(%run_scoped3A_88 : memref<!tpu.dma_semaphore, #tpu.memory_space<semaphore_mem>>)
      %dma_wait3A_97 = arith.constant 0 : i32
      %dma_wait3A_98 = arith.constant 0 : i32
      %dma_wait3A_99 = tpu.memref_slice %arg3[%arg1, %dma_wait3A_97, %dma_wait3A_98] : memref<16x63x80xi32, #tpu.memory_space<hbm>> -> memref<1x63x80xi32, #tpu.memory_space<hbm>>
      %dma_wait3A_100 = tpu.memref_squeeze %dma_wait3A_99 : memref<1x63x80xi32, #tpu.memory_space<hbm>> -> memref<63x80xi32, #tpu.memory_space<hbm>>
      %dma_wait3A_101 = arith.constant 0 : i32
      %dma_wait3A_102 = arith.constant 0 : i32
      %dma_wait3A_103 = tpu.memref_slice %arg3[%arg1, %dma_wait3A_101, %dma_wait3A_102] : memref<16x63x80xi32, #tpu.memory_space<hbm>> -> memref<1x63x80xi32, #tpu.memory_space<hbm>>
      %dma_wait3A_104 = tpu.memref_squeeze %dma_wait3A_103 : memref<1x63x80xi32, #tpu.memory_space<hbm>> -> memref<63x80xi32, #tpu.memory_space<hbm>>
      tpu.wait_dma2 semaphore(%run_scoped3A_88 : memref<!tpu.dma_semaphore, #tpu.memory_space<semaphore_mem>>) src(%dma_wait3A_104 : memref<63x80xi32, #tpu.memory_space<hbm>>) dst(%arg5 : memref<63x80xi32, #tpu.memory_space<vmem>>)
      tpu.yield
    }) : () -> ()
    %barrier3A = arith.constant 0 : index
    tpu.barrier barrier_id(%barrier3A)
    %add3A_44 = arith.constant 0 : i32
    %add3A_45 = arith.addi %add3A, %add3A_44 : i32
    %dma_start3A = arith.constant 0 : i32
    %dma_start3A_46 = arith.constant 0 : i32
    %dma_start3A_47 = arith.constant 0 : i32
    %dma_start3A_48 = tpu.memref_slice %arg6[%dma_start3A, %dma_start3A_46, %dma_start3A_47] : memref<2x80x128xf32, #tpu.memory_space<vmem>> -> memref<1x80x128xf32, #tpu.memory_space<vmem>>
    %dma_start3A_49 = tpu.memref_squeeze %dma_start3A_48 : memref<1x80x128xf32, #tpu.memory_space<vmem>> -> memref<80x128xf32, #tpu.memory_space<vmem>>
    %dma_start3A_50 = arith.constant 0 : i32
    %dma_start3A_51 = tpu.memref_slice %arg2[%add3A_45, %dma_start3A_50] : memref<161280x128xf32, #tpu.memory_space<hbm>> -> memref<80x128xf32, #tpu.memory_space<hbm>>
    %dma_start3A_52 = arith.constant 0 : i32
    %dma_start3A_53 = arith.constant 0 : i32
    %dma_start3A_54 = tpu.memref_slice %arg6[%dma_start3A, %dma_start3A_52, %dma_start3A_53] : memref<2x80x128xf32, #tpu.memory_space<vmem>> -> memref<1x80x128xf32, #tpu.memory_space<vmem>>
    %dma_start3A_55 = tpu.memref_squeeze %dma_start3A_54 : memref<1x80x128xf32, #tpu.memory_space<vmem>> -> memref<80x128xf32, #tpu.memory_space<vmem>>
    %dma_start3A_56 = arith.constant 0 : i32
    %dma_start3A_57 = tpu.memref_slice %arg2[%add3A_45, %dma_start3A_56] : memref<161280x128xf32, #tpu.memory_space<hbm>> -> memref<80x128xf32, #tpu.memory_space<hbm>>
    tpu.enqueue_dma source(%dma_start3A_57 : memref<80x128xf32, #tpu.memory_space<hbm>>) target(%dma_start3A_55 : memref<80x128xf32, #tpu.memory_space<vmem>>) target_semaphore(%arg8 : memref<!tpu.dma_semaphore, #tpu.memory_space<semaphore_mem>>)
    %scan3A_58 = arith.constant 0 : i32
    %scan3A_59 = arith.constant 0 : i32
    %scan3A_60 = arith.constant 31 : i32
    %scan3A_61 = arith.addi %scan3A_59, %scan3A_60 : i32
    %scan3A_62 = arith.constant 1 : i32
    %scan3A_63 = scf.for %scan3A_88 = %scan3A_59 to %scan3A_61 step %scan3A_62 iter_args(%scan3A_89 = %scan3A_58) -> (i32)  : i32 {
      %mul3A_90 = arith.constant 2 : i32
      %mul3A_91 = arith.muli %mul3A_90, %scan3A_88 : i32
      %add3A_92 = arith.constant 1 : i32
      %add3A_93 = arith.addi %mul3A_91, %add3A_92 : i32
      %mul3A_94 = arith.constant 80 : i32
      %mul3A_95 = arith.muli %add3A_93, %mul3A_94 : i32
      %add3A_96 = arith.addi %add3A, %mul3A_95 : i32
      %dma_start3A_97 = arith.constant 1 : i32
      %dma_start3A_98 = arith.constant 0 : i32
      %dma_start3A_99 = arith.constant 0 : i32
      %dma_start3A_100 = tpu.memref_slice %arg6[%dma_start3A_97, %dma_start3A_98, %dma_start3A_99] : memref<2x80x128xf32, #tpu.memory_space<vmem>> -> memref<1x80x128xf32, #tpu.memory_space<vmem>>
      %dma_start3A_101 = tpu.memref_squeeze %dma_start3A_100 : memref<1x80x128xf32, #tpu.memory_space<vmem>> -> memref<80x128xf32, #tpu.memory_space<vmem>>
      %dma_start3A_102 = arith.constant 0 : i32
      %dma_start3A_103 = tpu.memref_slice %arg2[%add3A_96, %dma_start3A_102] : memref<161280x128xf32, #tpu.memory_space<hbm>> -> memref<80x128xf32, #tpu.memory_space<hbm>>
      %dma_start3A_104 = arith.constant 0 : i32
      %dma_start3A_105 = arith.constant 0 : i32
      %dma_start3A_106 = tpu.memref_slice %arg6[%dma_start3A_97, %dma_start3A_104, %dma_start3A_105] : memref<2x80x128xf32, #tpu.memory_space<vmem>> -> memref<1x80x128xf32, #tpu.memory_space<vmem>>
      %dma_start3A_107 = tpu.memref_squeeze %dma_start3A_106 : memref<1x80x128xf32, #tpu.memory_space<vmem>> -> memref<80x128xf32, #tpu.memory_space<vmem>>
      %dma_start3A_108 = arith.constant 0 : i32
      %dma_start3A_109 = tpu.memref_slice %arg2[%add3A_96, %dma_start3A_108] : memref<161280x128xf32, #tpu.memory_space<hbm>> -> memref<80x128xf32, #tpu.memory_space<hbm>>
      tpu.enqueue_dma source(%dma_start3A_109 : memref<80x128xf32, #tpu.memory_space<hbm>>) target(%dma_start3A_107 : memref<80x128xf32, #tpu.memory_space<vmem>>) target_semaphore(%arg9 : memref<!tpu.dma_semaphore, #tpu.memory_space<semaphore_mem>>)
      %mul3A_110 = arith.constant 80 : i32
      %mul3A_111 = arith.muli %mul3A_91, %mul3A_110 : i32
      %add3A_112 = arith.addi %add3A, %mul3A_111 : i32
      %dma_wait3A_113 = arith.constant 0 : i32
      %dma_wait3A_114 = arith.constant 0 : i32
      %dma_wait3A_115 = arith.constant 0 : i32
      %dma_wait3A_116 = tpu.memref_slice %arg6[%dma_wait3A_113, %dma_wait3A_114, %dma_wait3A_115] : memref<2x80x128xf32, #tpu.memory_space<vmem>> -> memref<1x80x128xf32, #tpu.memory_space<vmem>>
      %dma_wait3A_117 = tpu.memref_squeeze %dma_wait3A_116 : memref<1x80x128xf32, #tpu.memory_space<vmem>> -> memref<80x128xf32, #tpu.memory_space<vmem>>
      %dma_wait3A_118 = arith.constant 0 : i32
      %dma_wait3A_119 = tpu.memref_slice %arg2[%add3A_112, %dma_wait3A_118] : memref<161280x128xf32, #tpu.memory_space<hbm>> -> memref<80x128xf32, #tpu.memory_space<hbm>>
      %dma_wait3A_120 = arith.constant 0 : i32
      %dma_wait3A_121 = arith.constant 0 : i32
      %dma_wait3A_122 = tpu.memref_slice %arg6[%dma_wait3A_113, %dma_wait3A_120, %dma_wait3A_121] : memref<2x80x128xf32, #tpu.memory_space<vmem>> -> memref<1x80x128xf32, #tpu.memory_space<vmem>>
      %dma_wait3A_123 = tpu.memref_squeeze %dma_wait3A_122 : memref<1x80x128xf32, #tpu.memory_space<vmem>> -> memref<80x128xf32, #tpu.memory_space<vmem>>
      %dma_wait3A_124 = arith.constant 0 : i32
      %dma_wait3A_125 = tpu.memref_slice %arg2[%add3A_112, %dma_wait3A_124] : memref<161280x128xf32, #tpu.memory_space<hbm>> -> memref<80x128xf32, #tpu.memory_space<hbm>>
      tpu.wait_dma2 semaphore(%arg8 : memref<!tpu.dma_semaphore, #tpu.memory_space<semaphore_mem>>) src(%dma_wait3A_125 : memref<80x128xf32, #tpu.memory_space<hbm>>) dst(%dma_wait3A_123 : memref<80x128xf32, #tpu.memory_space<vmem>>)
      %run_scoped3A_126 = arith.constant 0 : i32
      "tpu.region"() ({
        %run_scoped3A_167 = tpu.sem_alloc : memref<!tpu.dma_semaphore, #tpu.memory_space<semaphore_mem>>
        %dma_start3A_168 = arith.constant 0 : i32
        %dma_start3A_169 = arith.constant 0 : i32
        %dma_start3A_170 = tpu.memref_slice %arg6[%run_scoped3A_126, %dma_start3A_168, %dma_start3A_169] : memref<2x80x128xf32, #tpu.memory_space<vmem>> -> memref<1x80x128xf32, #tpu.memory_space<vmem>>
        %dma_start3A_171 = tpu.memref_squeeze %dma_start3A_170 : memref<1x80x128xf32, #tpu.memory_space<vmem>> -> memref<80x128xf32, #tpu.memory_space<vmem>>
        %dma_start3A_172 = arith.constant 0 : i32
        %dma_start3A_173 = tpu.memref_slice %arg5[%mul3A_91, %dma_start3A_172] : memref<63x80xi32, #tpu.memory_space<vmem>> -> memref<1x80xi32, #tpu.memory_space<vmem>>
        %dma_start3A_174 = tpu.memref_squeeze %dma_start3A_173 : memref<1x80xi32, #tpu.memory_space<vmem>> -> memref<80xi32, #tpu.memory_space<vmem>>
        %dma_start3A_175 = arith.constant 0 : i32
        %dma_start3A_176 = arith.constant 0 : i32
        %dma_start3A_177 = tpu.memref_slice %arg7[%dma_start3A_175, %dma_start3A_176] : memref<10000x128xf32, #tpu.memory_space<vmem_shared>> -> memref<10000x128xf32, #tpu.memory_space<vmem_shared>>
        tpu.enqueue_indirect_dma source(%dma_start3A_171 : memref<80x128xf32, #tpu.memory_space<vmem>>) target(%dma_start3A_177 : memref<10000x128xf32, #tpu.memory_space<vmem_shared>>) offsets(%dma_start3A_174 : memref<80xi32, #tpu.memory_space<vmem>>) semaphore(%run_scoped3A_167 : memref<!tpu.dma_semaphore, #tpu.memory_space<semaphore_mem>>) {add = true}
        %dma_wait3A_178 = arith.constant 0 : i32
        %dma_wait3A_179 = arith.constant 0 : i32
        %dma_wait3A_180 = tpu.memref_slice %arg6[%run_scoped3A_126, %dma_wait3A_178, %dma_wait3A_179] : memref<2x80x128xf32, #tpu.memory_space<vmem>> -> memref<1x80x128xf32, #tpu.memory_space<vmem>>
        %dma_wait3A_181 = tpu.memref_squeeze %dma_wait3A_180 : memref<1x80x128xf32, #tpu.memory_space<vmem>> -> memref<80x128xf32, #tpu.memory_space<vmem>>
        %dma_wait3A_182 = arith.constant 0 : i32
        %dma_wait3A_183 = tpu.memref_slice %arg5[%mul3A_91, %dma_wait3A_182] : memref<63x80xi32, #tpu.memory_space<vmem>> -> memref<1x80xi32, #tpu.memory_space<vmem>>
        %dma_wait3A_184 = tpu.memref_squeeze %dma_wait3A_183 : memref<1x80xi32, #tpu.memory_space<vmem>> -> memref<80xi32, #tpu.memory_space<vmem>>
        %dma_wait3A_185 = arith.constant 0 : i32
        %dma_wait3A_186 = arith.constant 0 : i32
        %dma_wait3A_187 = tpu.memref_slice %arg7[%dma_wait3A_185, %dma_wait3A_186] : memref<10000x128xf32, #tpu.memory_space<vmem_shared>> -> memref<10000x128xf32, #tpu.memory_space<vmem_shared>>
        tpu.wait_indirect_dma semaphore(%run_scoped3A_167 : memref<!tpu.dma_semaphore, #tpu.memory_space<semaphore_mem>>) src(%dma_wait3A_181 : memref<80x128xf32, #tpu.memory_space<vmem>>) dst(%dma_wait3A_187 : memref<10000x128xf32, #tpu.memory_space<vmem_shared>>)
        tpu.yield
      }) : () -> ()
      %add3A_127 = arith.constant 2 : i32
      %add3A_128 = arith.addi %mul3A_91, %add3A_127 : i32
      %mul3A_129 = arith.constant 80 : i32
      %mul3A_130 = arith.muli %add3A_128, %mul3A_129 : i32
      %add3A_131 = arith.addi %add3A, %mul3A_130 : i32
      %dma_start3A_132 = arith.constant 0 : i32
      %dma_start3A_133 = arith.constant 0 : i32
      %dma_start3A_134 = arith.constant 0 : i32
      %dma_start3A_135 = tpu.memref_slice %arg6[%dma_start3A_132, %dma_start3A_133, %dma_start3A_134] : memref<2x80x128xf32, #tpu.memory_space<vmem>> -> memref<1x80x128xf32, #tpu.memory_space<vmem>>
      %dma_start3A_136 = tpu.memref_squeeze %dma_start3A_135 : memref<1x80x128xf32, #tpu.memory_space<vmem>> -> memref<80x128xf32, #tpu.memory_space<vmem>>
      %dma_start3A_137 = arith.constant 0 : i32
      %dma_start3A_138 = tpu.memref_slice %arg2[%add3A_131, %dma_start3A_137] : memref<161280x128xf32, #tpu.memory_space<hbm>> -> memref<80x128xf32, #tpu.memory_space<hbm>>
      %dma_start3A_139 = arith.constant 0 : i32
      %dma_start3A_140 = arith.constant 0 : i32
      %dma_start3A_141 = tpu.memref_slice %arg6[%dma_start3A_132, %dma_start3A_139, %dma_start3A_140] : memref<2x80x128xf32, #tpu.memory_space<vmem>> -> memref<1x80x128xf32, #tpu.memory_space<vmem>>
      %dma_start3A_142 = tpu.memref_squeeze %dma_start3A_141 : memref<1x80x128xf32, #tpu.memory_space<vmem>> -> memref<80x128xf32, #tpu.memory_space<vmem>>
      %dma_start3A_143 = arith.constant 0 : i32
      %dma_start3A_144 = tpu.memref_slice %arg2[%add3A_131, %dma_start3A_143] : memref<161280x128xf32, #tpu.memory_space<hbm>> -> memref<80x128xf32, #tpu.memory_space<hbm>>
      tpu.enqueue_dma source(%dma_start3A_144 : memref<80x128xf32, #tpu.memory_space<hbm>>) target(%dma_start3A_142 : memref<80x128xf32, #tpu.memory_space<vmem>>) target_semaphore(%arg8 : memref<!tpu.dma_semaphore, #tpu.memory_space<semaphore_mem>>)
      %add3A_145 = arith.constant 1 : i32
      %add3A_146 = arith.addi %mul3A_91, %add3A_145 : i32
      %mul3A_147 = arith.constant 80 : i32
      %mul3A_148 = arith.muli %add3A_146, %mul3A_147 : i32
      %add3A_149 = arith.addi %add3A, %mul3A_148 : i32
      %dma_wait3A_150 = arith.constant 1 : i32
      %dma_wait3A_151 = arith.constant 0 : i32
      %dma_wait3A_152 = arith.constant 0 : i32
      %dma_wait3A_153 = tpu.memref_slice %arg6[%dma_wait3A_150, %dma_wait3A_151, %dma_wait3A_152] : memref<2x80x128xf32, #tpu.memory_space<vmem>> -> memref<1x80x128xf32, #tpu.memory_space<vmem>>
      %dma_wait3A_154 = tpu.memref_squeeze %dma_wait3A_153 : memref<1x80x128xf32, #tpu.memory_space<vmem>> -> memref<80x128xf32, #tpu.memory_space<vmem>>
      %dma_wait3A_155 = arith.constant 0 : i32
      %dma_wait3A_156 = tpu.memref_slice %arg2[%add3A_149, %dma_wait3A_155] : memref<161280x128xf32, #tpu.memory_space<hbm>> -> memref<80x128xf32, #tpu.memory_space<hbm>>
      %dma_wait3A_157 = arith.constant 0 : i32
      %dma_wait3A_158 = arith.constant 0 : i32
      %dma_wait3A_159 = tpu.memref_slice %arg6[%dma_wait3A_150, %dma_wait3A_157, %dma_wait3A_158] : memref<2x80x128xf32, #tpu.memory_space<vmem>> -> memref<1x80x128xf32, #tpu.memory_space<vmem>>
      %dma_wait3A_160 = tpu.memref_squeeze %dma_wait3A_159 : memref<1x80x128xf32, #tpu.memory_space<vmem>> -> memref<80x128xf32, #tpu.memory_space<vmem>>
      %dma_wait3A_161 = arith.constant 0 : i32
      %dma_wait3A_162 = tpu.memref_slice %arg2[%add3A_149, %dma_wait3A_161] : memref<161280x128xf32, #tpu.memory_space<hbm>> -> memref<80x128xf32, #tpu.memory_space<hbm>>
      tpu.wait_dma2 semaphore(%arg9 : memref<!tpu.dma_semaphore, #tpu.memory_space<semaphore_mem>>) src(%dma_wait3A_162 : memref<80x128xf32, #tpu.memory_space<hbm>>) dst(%dma_wait3A_160 : memref<80x128xf32, #tpu.memory_space<vmem>>)
      %add3A_163 = arith.constant 1 : i32
      %add3A_164 = arith.addi %mul3A_91, %add3A_163 : i32
      %run_scoped3A_165 = arith.constant 1 : i32
      "tpu.region"() ({
        %run_scoped3A_167 = tpu.sem_alloc : memref<!tpu.dma_semaphore, #tpu.memory_space<semaphore_mem>>
        %dma_start3A_168 = arith.constant 0 : i32
        %dma_start3A_169 = arith.constant 0 : i32
        %dma_start3A_170 = tpu.memref_slice %arg6[%run_scoped3A_165, %dma_start3A_168, %dma_start3A_169] : memref<2x80x128xf32, #tpu.memory_space<vmem>> -> memref<1x80x128xf32, #tpu.memory_space<vmem>>
        %dma_start3A_171 = tpu.memref_squeeze %dma_start3A_170 : memref<1x80x128xf32, #tpu.memory_space<vmem>> -> memref<80x128xf32, #tpu.memory_space<vmem>>
        %dma_start3A_172 = arith.constant 0 : i32
        %dma_start3A_173 = tpu.memref_slice %arg5[%add3A_164, %dma_start3A_172] : memref<63x80xi32, #tpu.memory_space<vmem>> -> memref<1x80xi32, #tpu.memory_space<vmem>>
        %dma_start3A_174 = tpu.memref_squeeze %dma_start3A_173 : memref<1x80xi32, #tpu.memory_space<vmem>> -> memref<80xi32, #tpu.memory_space<vmem>>
        %dma_start3A_175 = arith.constant 0 : i32
        %dma_start3A_176 = arith.constant 0 : i32
        %dma_start3A_177 = tpu.memref_slice %arg7[%dma_start3A_175, %dma_start3A_176] : memref<10000x128xf32, #tpu.memory_space<vmem_shared>> -> memref<10000x128xf32, #tpu.memory_space<vmem_shared>>
        tpu.enqueue_indirect_dma source(%dma_start3A_171 : memref<80x128xf32, #tpu.memory_space<vmem>>) target(%dma_start3A_177 : memref<10000x128xf32, #tpu.memory_space<vmem_shared>>) offsets(%dma_start3A_174 : memref<80xi32, #tpu.memory_space<vmem>>) semaphore(%run_scoped3A_167 : memref<!tpu.dma_semaphore, #tpu.memory_space<semaphore_mem>>) {add = true}
        %dma_wait3A_178 = arith.constant 0 : i32
        %dma_wait3A_179 = arith.constant 0 : i32
        %dma_wait3A_180 = tpu.memref_slice %arg6[%run_scoped3A_165, %dma_wait3A_178, %dma_wait3A_179] : memref<2x80x128xf32, #tpu.memory_space<vmem>> -> memref<1x80x128xf32, #tpu.memory_space<vmem>>
        %dma_wait3A_181 = tpu.memref_squeeze %dma_wait3A_180 : memref<1x80x128xf32, #tpu.memory_space<vmem>> -> memref<80x128xf32, #tpu.memory_space<vmem>>
        %dma_wait3A_182 = arith.constant 0 : i32
        %dma_wait3A_183 = tpu.memref_slice %arg5[%add3A_164, %dma_wait3A_182] : memref<63x80xi32, #tpu.memory_space<vmem>> -> memref<1x80xi32, #tpu.memory_space<vmem>>
        %dma_wait3A_184 = tpu.memref_squeeze %dma_wait3A_183 : memref<1x80xi32, #tpu.memory_space<vmem>> -> memref<80xi32, #tpu.memory_space<vmem>>
        %dma_wait3A_185 = arith.constant 0 : i32
        %dma_wait3A_186 = arith.constant 0 : i32
        %dma_wait3A_187 = tpu.memref_slice %arg7[%dma_wait3A_185, %dma_wait3A_186] : memref<10000x128xf32, #tpu.memory_space<vmem_shared>> -> memref<10000x128xf32, #tpu.memory_space<vmem_shared>>
        tpu.wait_indirect_dma semaphore(%run_scoped3A_167 : memref<!tpu.dma_semaphore, #tpu.memory_space<semaphore_mem>>) src(%dma_wait3A_181 : memref<80x128xf32, #tpu.memory_space<vmem>>) dst(%dma_wait3A_187 : memref<10000x128xf32, #tpu.memory_space<vmem_shared>>)
        tpu.yield
      }) : () -> ()
      %scan3A_166 = arith.constant 0 : i32
      scf.yield %scan3A_166 : i32
    }
    %scan3A_64 = arith.constant 31 : i32
    %add3A_65 = arith.constant 4960 : i32
    %add3A_66 = arith.addi %add3A, %add3A_65 : i32
    %dma_wait3A = arith.constant 0 : i32
    %dma_wait3A_67 = arith.constant 0 : i32
    %dma_wait3A_68 = arith.constant 0 : i32
    %dma_wait3A_69 = tpu.memref_slice %arg6[%dma_wait3A, %dma_wait3A_67, %dma_wait3A_68] : memref<2x80x128xf32, #tpu.memory_space<vmem>> -> memref<1x80x128xf32, #tpu.memory_space<vmem>>
    %dma_wait3A_70 = tpu.memref_squeeze %dma_wait3A_69 : memref<1x80x128xf32, #tpu.memory_space<vmem>> -> memref<80x128xf32, #tpu.memory_space<vmem>>
    %dma_wait3A_71 = arith.constant 0 : i32
    %dma_wait3A_72 = tpu.memref_slice %arg2[%add3A_66, %dma_wait3A_71] : memref<161280x128xf32, #tpu.memory_space<hbm>> -> memref<80x128xf32, #tpu.memory_space<hbm>>
    %dma_wait3A_73 = arith.constant 0 : i32
    %dma_wait3A_74 = arith.constant 0 : i32
    %dma_wait3A_75 = tpu.memref_slice %arg6[%dma_wait3A, %dma_wait3A_73, %dma_wait3A_74] : memref<2x80x128xf32, #tpu.memory_space<vmem>> -> memref<1x80x128xf32, #tpu.memory_space<vmem>>
    %dma_wait3A_76 = tpu.memref_squeeze %dma_wait3A_75 : memref<1x80x128xf32, #tpu.memory_space<vmem>> -> memref<80x128xf32, #tpu.memory_space<vmem>>
    %dma_wait3A_77 = arith.constant 0 : i32
    %dma_wait3A_78 = tpu.memref_slice %arg2[%add3A_66, %dma_wait3A_77] : memref<161280x128xf32, #tpu.memory_space<hbm>> -> memref<80x128xf32, #tpu.memory_space<hbm>>
    tpu.wait_dma2 semaphore(%arg8 : memref<!tpu.dma_semaphore, #tpu.memory_space<semaphore_mem>>) src(%dma_wait3A_78 : memref<80x128xf32, #tpu.memory_space<hbm>>) dst(%dma_wait3A_76 : memref<80x128xf32, #tpu.memory_space<vmem>>)
    %run_scoped3A = arith.constant 0 : i32
    %run_scoped3A_79 = arith.constant 62 : i32
    "tpu.region"() ({
      %run_scoped3A_88 = tpu.sem_alloc : memref<!tpu.dma_semaphore, #tpu.memory_space<semaphore_mem>>
      %dma_start3A_89 = arith.constant 0 : i32
      %dma_start3A_90 = arith.constant 0 : i32
      %dma_start3A_91 = tpu.memref_slice %arg6[%run_scoped3A, %dma_start3A_89, %dma_start3A_90] : memref<2x80x128xf32, #tpu.memory_space<vmem>> -> memref<1x80x128xf32, #tpu.memory_space<vmem>>
      %dma_start3A_92 = tpu.memref_squeeze %dma_start3A_91 : memref<1x80x128xf32, #tpu.memory_space<vmem>> -> memref<80x128xf32, #tpu.memory_space<vmem>>
      %dma_start3A_93 = arith.constant 0 : i32
      %dma_start3A_94 = tpu.memref_slice %arg5[%run_scoped3A_79, %dma_start3A_93] : memref<63x80xi32, #tpu.memory_space<vmem>> -> memref<1x80xi32, #tpu.memory_space<vmem>>
      %dma_start3A_95 = tpu.memref_squeeze %dma_start3A_94 : memref<1x80xi32, #tpu.memory_space<vmem>> -> memref<80xi32, #tpu.memory_space<vmem>>
      %dma_start3A_96 = arith.constant 0 : i32
      %dma_start3A_97 = arith.constant 0 : i32
      %dma_start3A_98 = tpu.memref_slice %arg7[%dma_start3A_96, %dma_start3A_97] : memref<10000x128xf32, #tpu.memory_space<vmem_shared>> -> memref<10000x128xf32, #tpu.memory_space<vmem_shared>>
      tpu.enqueue_indirect_dma source(%dma_start3A_92 : memref<80x128xf32, #tpu.memory_space<vmem>>) target(%dma_start3A_98 : memref<10000x128xf32, #tpu.memory_space<vmem_shared>>) offsets(%dma_start3A_95 : memref<80xi32, #tpu.memory_space<vmem>>) semaphore(%run_scoped3A_88 : memref<!tpu.dma_semaphore, #tpu.memory_space<semaphore_mem>>) {add = true}
      %dma_wait3A_99 = arith.constant 0 : i32
      %dma_wait3A_100 = arith.constant 0 : i32
      %dma_wait3A_101 = tpu.memref_slice %arg6[%run_scoped3A, %dma_wait3A_99, %dma_wait3A_100] : memref<2x80x128xf32, #tpu.memory_space<vmem>> -> memref<1x80x128xf32, #tpu.memory_space<vmem>>
      %dma_wait3A_102 = tpu.memref_squeeze %dma_wait3A_101 : memref<1x80x128xf32, #tpu.memory_space<vmem>> -> memref<80x128xf32, #tpu.memory_space<vmem>>
      %dma_wait3A_103 = arith.constant 0 : i32
      %dma_wait3A_104 = tpu.memref_slice %arg5[%run_scoped3A_79, %dma_wait3A_103] : memref<63x80xi32, #tpu.memory_space<vmem>> -> memref<1x80xi32, #tpu.memory_space<vmem>>
      %dma_wait3A_105 = tpu.memref_squeeze %dma_wait3A_104 : memref<1x80xi32, #tpu.memory_space<vmem>> -> memref<80xi32, #tpu.memory_space<vmem>>
      %dma_wait3A_106 = arith.constant 0 : i32
      %dma_wait3A_107 = arith.constant 0 : i32
      %dma_wait3A_108 = tpu.memref_slice %arg7[%dma_wait3A_106, %dma_wait3A_107] : memref<10000x128xf32, #tpu.memory_space<vmem_shared>> -> memref<10000x128xf32, #tpu.memory_space<vmem_shared>>
      tpu.wait_indirect_dma semaphore(%run_scoped3A_88 : memref<!tpu.dma_semaphore, #tpu.memory_space<semaphore_mem>>) src(%dma_wait3A_102 : memref<80x128xf32, #tpu.memory_space<vmem>>) dst(%dma_wait3A_108 : memref<10000x128xf32, #tpu.memory_space<vmem_shared>>)
      tpu.yield
    }) : () -> ()
    %barrier3A_80 = arith.constant 0 : index
    tpu.barrier barrier_id(%barrier3A_80)
    %lt3A_81 = arith.constant 15 : i32
    %lt3A_82 = arith.cmpi slt, %arg1, %lt3A_81 : i32
    %convert_element_type3A = arith.extui %lt3A_82 : i1 to i32
    %cond3A = arith.constant 0 : i32
    %cond3A_83 = arith.cmpi ne, %convert_element_type3A, %cond3A : i32
    scf.if %cond3A_83 {
      "tpu.region"() ({
        %run_scoped3A_88 = tpu.sem_alloc : memref<!tpu.dma_semaphore, #tpu.memory_space<semaphore_mem>>
        %dma_start3A_89 = tpu.memref_slice %arg4[%mul3A_2, %mul3A_0] : memref<10000x256xf32, #tpu.memory_space<hbm>> -> memref<640x128xf32, #tpu.memory_space<hbm>>
        %dma_start3A_90 = arith.constant 0 : i32
        %dma_start3A_91 = tpu.memref_slice %arg7[%mul3A_2, %dma_start3A_90] : memref<10000x128xf32, #tpu.memory_space<vmem_shared>> -> memref<640x128xf32, #tpu.memory_space<vmem_shared>>
        tpu.enqueue_dma source(%dma_start3A_91 : memref<640x128xf32, #tpu.memory_space<vmem_shared>>) target(%dma_start3A_89 : memref<640x128xf32, #tpu.memory_space<hbm>>) target_semaphore(%run_scoped3A_88 : memref<!tpu.dma_semaphore, #tpu.memory_space<semaphore_mem>>)
        %dma_wait3A_92 = tpu.memref_slice %arg4[%mul3A_2, %mul3A_0] : memref<10000x256xf32, #tpu.memory_space<hbm>> -> memref<640x128xf32, #tpu.memory_space<hbm>>
        %dma_wait3A_93 = arith.constant 0 : i32
        %dma_wait3A_94 = tpu.memref_slice %arg7[%mul3A_2, %dma_wait3A_93] : memref<10000x128xf32, #tpu.memory_space<vmem_shared>> -> memref<640x128xf32, #tpu.memory_space<vmem_shared>>
        tpu.wait_dma2 semaphore(%run_scoped3A_88 : memref<!tpu.dma_semaphore, #tpu.memory_space<semaphore_mem>>) src(%dma_wait3A_94 : memref<640x128xf32, #tpu.memory_space<vmem_shared>>) dst(%dma_wait3A_92 : memref<640x128xf32, #tpu.memory_space<hbm>>)
        tpu.yield
      }) : () -> ()
    } else {
    }
    %eq3A = arith.constant 15 : i32
    %eq3A_84 = arith.cmpi eq, %arg1, %eq3A : i32
    %convert_element_type3A_85 = arith.extui %eq3A_84 : i1 to i32
    %cond3A_86 = arith.constant 0 : i32
    %cond3A_87 = arith.cmpi ne, %convert_element_type3A_85, %cond3A_86 : i32
    scf.if %cond3A_87 {
      "tpu.region"() ({
        %run_scoped3A_88 = tpu.sem_alloc : memref<!tpu.dma_semaphore, #tpu.memory_space<semaphore_mem>>
        %dma_start3A_89 = tpu.memref_slice %arg4[%mul3A_2, %mul3A_0] : memref<10000x256xf32, #tpu.memory_space<hbm>> -> memref<400x128xf32, #tpu.memory_space<hbm>>
        %dma_start3A_90 = arith.constant 0 : i32
        %dma_start3A_91 = tpu.memref_slice %arg7[%mul3A_2, %dma_start3A_90] : memref<10000x128xf32, #tpu.memory_space<vmem_shared>> -> memref<400x128xf32, #tpu.memory_space<vmem_shared>>
        tpu.enqueue_dma source(%dma_start3A_91 : memref<400x128xf32, #tpu.memory_space<vmem_shared>>) target(%dma_start3A_89 : memref<400x128xf32, #tpu.memory_space<hbm>>) target_semaphore(%run_scoped3A_88 : memref<!tpu.dma_semaphore, #tpu.memory_space<semaphore_mem>>)
        %dma_wait3A_92 = tpu.memref_slice %arg4[%mul3A_2, %mul3A_0] : memref<10000x256xf32, #tpu.memory_space<hbm>> -> memref<400x128xf32, #tpu.memory_space<hbm>>
        %dma_wait3A_93 = arith.constant 0 : i32
        %dma_wait3A_94 = tpu.memref_slice %arg7[%mul3A_2, %dma_wait3A_93] : memref<10000x128xf32, #tpu.memory_space<vmem_shared>> -> memref<400x128xf32, #tpu.memory_space<vmem_shared>>
        tpu.wait_dma2 semaphore(%run_scoped3A_88 : memref<!tpu.dma_semaphore, #tpu.memory_space<semaphore_mem>>) src(%dma_wait3A_94 : memref<400x128xf32, #tpu.memory_space<vmem_shared>>) dst(%dma_wait3A_92 : memref<400x128xf32, #tpu.memory_space<hbm>>)
        tpu.yield
      }) : () -> ()
    } else {
    }
    return
  }
}

#map = affine_map<(d0, d1) -> (0, 0)>
#map1 = affine_map<(d0, d1) -> (0, 0, 0)>
module attributes {stable_mosaic.version = 14 : i64} {
  func.func @run(%arg0: i32, %arg1: i32, %arg2: memref<158720x128xf32, #tpu.memory_space<hbm>>, %arg3: memref<16x62x80xi32, #tpu.memory_space<hbm>>, %arg4: memref<10000x256xf32, #tpu.memory_space<hbm>>, %arg5: memref<10000x256xf32, #tpu.memory_space<hbm>>, %arg6: memref<62x80xi32, #tpu.memory_space<vmem>>, %arg7: memref<2x80x128xf32, #tpu.memory_space<vmem>>, %arg8: memref<10000x128xf32, #tpu.memory_space<vmem_shared>>, %arg9: memref<!tpu.dma_semaphore, #tpu.memory_space<semaphore_mem>>, %arg10: memref<!tpu.dma_semaphore, #tpu.memory_space<semaphore_mem>>) attributes {dimension_semantics = [#tpu.dimension_semantics<core_parallel>, #tpu.dimension_semantics<subcore_parallel>], iteration_bounds = array<i64: 2, 16>, scalar_prefetch = 0 : i64, scratch_operands = 5 : i64, tpu.core_type = #tpu.core_type<sc_vector_subcore>, window_params = [{transform_indices = #map}, {transform_indices = #map1}, {transform_indices = #map}, {transform_indices = #map}]} {
    %mul3A = arith.constant 128 : i32
    %mul3A_0 = arith.muli %arg0, %mul3A : i32
    %mul3A_1 = arith.constant 640 : i32
    %mul3A_2 = arith.muli %arg1, %mul3A_1 : i32
    %mul3A_3 = arith.constant 79360 : i32
    %mul3A_4 = arith.muli %arg0, %mul3A_3 : i32
    %mul3A_5 = arith.constant 4960 : i32
    %mul3A_6 = arith.muli %arg1, %mul3A_5 : i32
    %add3A = arith.addi %mul3A_4, %mul3A_6 : i32
    %lt3A = arith.constant 15 : i32
    %lt3A_7 = arith.cmpi slt, %arg1, %lt3A : i32
    %convert_element_type3A = arith.extui %lt3A_7 : i1 to i32
    %cond3A = arith.constant 0 : i32
    %cond3A_8 = arith.cmpi ne, %convert_element_type3A, %cond3A : i32
    scf.if %cond3A_8 {
      "tpu.region"() ({
        %run_scoped3A_64 = tpu.sem_alloc : memref<!tpu.dma_semaphore, #tpu.memory_space<semaphore_mem>>
        %dma_start3A_65 = arith.constant 0 : i32
        %dma_start3A_66 = tpu.memref_slice %arg8[%mul3A_2, %dma_start3A_65] : memref<10000x128xf32, #tpu.memory_space<vmem_shared>> -> memref<640x128xf32, #tpu.memory_space<vmem_shared>>
        %dma_start3A_67 = tpu.memref_slice %arg4[%mul3A_2, %mul3A_0] : memref<10000x256xf32, #tpu.memory_space<hbm>> -> memref<640x128xf32, #tpu.memory_space<hbm>>
        tpu.enqueue_dma source(%dma_start3A_67 : memref<640x128xf32, #tpu.memory_space<hbm>>) target(%dma_start3A_66 : memref<640x128xf32, #tpu.memory_space<vmem_shared>>) target_semaphore(%run_scoped3A_64 : memref<!tpu.dma_semaphore, #tpu.memory_space<semaphore_mem>>)
        %dma_wait3A_68 = arith.constant 0 : i32
        %dma_wait3A_69 = tpu.memref_slice %arg8[%mul3A_2, %dma_wait3A_68] : memref<10000x128xf32, #tpu.memory_space<vmem_shared>> -> memref<640x128xf32, #tpu.memory_space<vmem_shared>>
        %dma_wait3A_70 = tpu.memref_slice %arg4[%mul3A_2, %mul3A_0] : memref<10000x256xf32, #tpu.memory_space<hbm>> -> memref<640x128xf32, #tpu.memory_space<hbm>>
        tpu.wait_dma2 semaphore(%run_scoped3A_64 : memref<!tpu.dma_semaphore, #tpu.memory_space<semaphore_mem>>) src(%dma_wait3A_70 : memref<640x128xf32, #tpu.memory_space<hbm>>) dst(%dma_wait3A_69 : memref<640x128xf32, #tpu.memory_space<vmem_shared>>)
        tpu.yield
      }) : () -> ()
    } else {
    }
    %eq3A = arith.constant 15 : i32
    %eq3A_9 = arith.cmpi eq, %arg1, %eq3A : i32
    %convert_element_type3A_10 = arith.extui %eq3A_9 : i1 to i32
    %cond3A_11 = arith.constant 0 : i32
    %cond3A_12 = arith.cmpi ne, %convert_element_type3A_10, %cond3A_11 : i32
    scf.if %cond3A_12 {
      "tpu.region"() ({
        %run_scoped3A_64 = tpu.sem_alloc : memref<!tpu.dma_semaphore, #tpu.memory_space<semaphore_mem>>
        %dma_start3A_65 = arith.constant 0 : i32
        %dma_start3A_66 = tpu.memref_slice %arg8[%mul3A_2, %dma_start3A_65] : memref<10000x128xf32, #tpu.memory_space<vmem_shared>> -> memref<400x128xf32, #tpu.memory_space<vmem_shared>>
        %dma_start3A_67 = tpu.memref_slice %arg4[%mul3A_2, %mul3A_0] : memref<10000x256xf32, #tpu.memory_space<hbm>> -> memref<400x128xf32, #tpu.memory_space<hbm>>
        tpu.enqueue_dma source(%dma_start3A_67 : memref<400x128xf32, #tpu.memory_space<hbm>>) target(%dma_start3A_66 : memref<400x128xf32, #tpu.memory_space<vmem_shared>>) target_semaphore(%run_scoped3A_64 : memref<!tpu.dma_semaphore, #tpu.memory_space<semaphore_mem>>)
        %dma_wait3A_68 = arith.constant 0 : i32
        %dma_wait3A_69 = tpu.memref_slice %arg8[%mul3A_2, %dma_wait3A_68] : memref<10000x128xf32, #tpu.memory_space<vmem_shared>> -> memref<400x128xf32, #tpu.memory_space<vmem_shared>>
        %dma_wait3A_70 = tpu.memref_slice %arg4[%mul3A_2, %mul3A_0] : memref<10000x256xf32, #tpu.memory_space<hbm>> -> memref<400x128xf32, #tpu.memory_space<hbm>>
        tpu.wait_dma2 semaphore(%run_scoped3A_64 : memref<!tpu.dma_semaphore, #tpu.memory_space<semaphore_mem>>) src(%dma_wait3A_70 : memref<400x128xf32, #tpu.memory_space<hbm>>) dst(%dma_wait3A_69 : memref<400x128xf32, #tpu.memory_space<vmem_shared>>)
        tpu.yield
      }) : () -> ()
    } else {
    }
    "tpu.region"() ({
      %run_scoped3A_64 = tpu.sem_alloc : memref<!tpu.dma_semaphore, #tpu.memory_space<semaphore_mem>>
      %dma_start3A_65 = arith.constant 0 : i32
      %dma_start3A_66 = arith.constant 0 : i32
      %dma_start3A_67 = tpu.memref_slice %arg3[%arg1, %dma_start3A_65, %dma_start3A_66] : memref<16x62x80xi32, #tpu.memory_space<hbm>> -> memref<1x62x80xi32, #tpu.memory_space<hbm>>
      %dma_start3A_68 = tpu.memref_squeeze %dma_start3A_67 : memref<1x62x80xi32, #tpu.memory_space<hbm>> -> memref<62x80xi32, #tpu.memory_space<hbm>>
      %dma_start3A_69 = arith.constant 0 : i32
      %dma_start3A_70 = arith.constant 0 : i32
      %dma_start3A_71 = tpu.memref_slice %arg3[%arg1, %dma_start3A_69, %dma_start3A_70] : memref<16x62x80xi32, #tpu.memory_space<hbm>> -> memref<1x62x80xi32, #tpu.memory_space<hbm>>
      %dma_start3A_72 = tpu.memref_squeeze %dma_start3A_71 : memref<1x62x80xi32, #tpu.memory_space<hbm>> -> memref<62x80xi32, #tpu.memory_space<hbm>>
      tpu.enqueue_dma source(%dma_start3A_72 : memref<62x80xi32, #tpu.memory_space<hbm>>) target(%arg6 : memref<62x80xi32, #tpu.memory_space<vmem>>) target_semaphore(%run_scoped3A_64 : memref<!tpu.dma_semaphore, #tpu.memory_space<semaphore_mem>>)
      %dma_wait3A_73 = arith.constant 0 : i32
      %dma_wait3A_74 = arith.constant 0 : i32
      %dma_wait3A_75 = tpu.memref_slice %arg3[%arg1, %dma_wait3A_73, %dma_wait3A_74] : memref<16x62x80xi32, #tpu.memory_space<hbm>> -> memref<1x62x80xi32, #tpu.memory_space<hbm>>
      %dma_wait3A_76 = tpu.memref_squeeze %dma_wait3A_75 : memref<1x62x80xi32, #tpu.memory_space<hbm>> -> memref<62x80xi32, #tpu.memory_space<hbm>>
      %dma_wait3A_77 = arith.constant 0 : i32
      %dma_wait3A_78 = arith.constant 0 : i32
      %dma_wait3A_79 = tpu.memref_slice %arg3[%arg1, %dma_wait3A_77, %dma_wait3A_78] : memref<16x62x80xi32, #tpu.memory_space<hbm>> -> memref<1x62x80xi32, #tpu.memory_space<hbm>>
      %dma_wait3A_80 = tpu.memref_squeeze %dma_wait3A_79 : memref<1x62x80xi32, #tpu.memory_space<hbm>> -> memref<62x80xi32, #tpu.memory_space<hbm>>
      tpu.wait_dma2 semaphore(%run_scoped3A_64 : memref<!tpu.dma_semaphore, #tpu.memory_space<semaphore_mem>>) src(%dma_wait3A_80 : memref<62x80xi32, #tpu.memory_space<hbm>>) dst(%arg6 : memref<62x80xi32, #tpu.memory_space<vmem>>)
      tpu.yield
    }) : () -> ()
    %barrier3A = arith.constant 0 : index
    tpu.barrier barrier_id(%barrier3A)
    %add3A_13 = arith.constant 0 : i32
    %add3A_14 = arith.addi %add3A, %add3A_13 : i32
    %dma_start3A = arith.constant 0 : i32
    %dma_start3A_15 = arith.constant 0 : i32
    %dma_start3A_16 = arith.constant 0 : i32
    %dma_start3A_17 = tpu.memref_slice %arg7[%dma_start3A, %dma_start3A_15, %dma_start3A_16] : memref<2x80x128xf32, #tpu.memory_space<vmem>> -> memref<1x80x128xf32, #tpu.memory_space<vmem>>
    %dma_start3A_18 = tpu.memref_squeeze %dma_start3A_17 : memref<1x80x128xf32, #tpu.memory_space<vmem>> -> memref<80x128xf32, #tpu.memory_space<vmem>>
    %dma_start3A_19 = arith.constant 0 : i32
    %dma_start3A_20 = tpu.memref_slice %arg2[%add3A_14, %dma_start3A_19] : memref<158720x128xf32, #tpu.memory_space<hbm>> -> memref<80x128xf32, #tpu.memory_space<hbm>>
    %dma_start3A_21 = arith.constant 0 : i32
    %dma_start3A_22 = arith.constant 0 : i32
    %dma_start3A_23 = tpu.memref_slice %arg7[%dma_start3A, %dma_start3A_21, %dma_start3A_22] : memref<2x80x128xf32, #tpu.memory_space<vmem>> -> memref<1x80x128xf32, #tpu.memory_space<vmem>>
    %dma_start3A_24 = tpu.memref_squeeze %dma_start3A_23 : memref<1x80x128xf32, #tpu.memory_space<vmem>> -> memref<80x128xf32, #tpu.memory_space<vmem>>
    %dma_start3A_25 = arith.constant 0 : i32
    %dma_start3A_26 = tpu.memref_slice %arg2[%add3A_14, %dma_start3A_25] : memref<158720x128xf32, #tpu.memory_space<hbm>> -> memref<80x128xf32, #tpu.memory_space<hbm>>
    tpu.enqueue_dma source(%dma_start3A_26 : memref<80x128xf32, #tpu.memory_space<hbm>>) target(%dma_start3A_24 : memref<80x128xf32, #tpu.memory_space<vmem>>) target_semaphore(%arg9 : memref<!tpu.dma_semaphore, #tpu.memory_space<semaphore_mem>>)
    %scan3A = arith.constant 0 : i32
    %scan3A_27 = arith.constant 0 : i32
    %scan3A_28 = arith.constant 30 : i32
    %scan3A_29 = arith.addi %scan3A_27, %scan3A_28 : i32
    %scan3A_30 = arith.constant 1 : i32
    %scan3A_31 = scf.for %scan3A_64 = %scan3A_27 to %scan3A_29 step %scan3A_30 iter_args(%scan3A_65 = %scan3A) -> (i32)  : i32 {
      %mul3A_66 = arith.constant 2 : i32
      %mul3A_67 = arith.muli %mul3A_66, %scan3A_64 : i32
      %add3A_68 = arith.constant 1 : i32
      %add3A_69 = arith.addi %mul3A_67, %add3A_68 : i32
      %mul3A_70 = arith.constant 80 : i32
      %mul3A_71 = arith.muli %add3A_69, %mul3A_70 : i32
      %add3A_72 = arith.addi %add3A, %mul3A_71 : i32
      %dma_start3A_73 = arith.constant 1 : i32
      %dma_start3A_74 = arith.constant 0 : i32
      %dma_start3A_75 = arith.constant 0 : i32
      %dma_start3A_76 = tpu.memref_slice %arg7[%dma_start3A_73, %dma_start3A_74, %dma_start3A_75] : memref<2x80x128xf32, #tpu.memory_space<vmem>> -> memref<1x80x128xf32, #tpu.memory_space<vmem>>
      %dma_start3A_77 = tpu.memref_squeeze %dma_start3A_76 : memref<1x80x128xf32, #tpu.memory_space<vmem>> -> memref<80x128xf32, #tpu.memory_space<vmem>>
      %dma_start3A_78 = arith.constant 0 : i32
      %dma_start3A_79 = tpu.memref_slice %arg2[%add3A_72, %dma_start3A_78] : memref<158720x128xf32, #tpu.memory_space<hbm>> -> memref<80x128xf32, #tpu.memory_space<hbm>>
      %dma_start3A_80 = arith.constant 0 : i32
      %dma_start3A_81 = arith.constant 0 : i32
      %dma_start3A_82 = tpu.memref_slice %arg7[%dma_start3A_73, %dma_start3A_80, %dma_start3A_81] : memref<2x80x128xf32, #tpu.memory_space<vmem>> -> memref<1x80x128xf32, #tpu.memory_space<vmem>>
      %dma_start3A_83 = tpu.memref_squeeze %dma_start3A_82 : memref<1x80x128xf32, #tpu.memory_space<vmem>> -> memref<80x128xf32, #tpu.memory_space<vmem>>
      %dma_start3A_84 = arith.constant 0 : i32
      %dma_start3A_85 = tpu.memref_slice %arg2[%add3A_72, %dma_start3A_84] : memref<158720x128xf32, #tpu.memory_space<hbm>> -> memref<80x128xf32, #tpu.memory_space<hbm>>
      tpu.enqueue_dma source(%dma_start3A_85 : memref<80x128xf32, #tpu.memory_space<hbm>>) target(%dma_start3A_83 : memref<80x128xf32, #tpu.memory_space<vmem>>) target_semaphore(%arg10 : memref<!tpu.dma_semaphore, #tpu.memory_space<semaphore_mem>>)
      %mul3A_86 = arith.constant 80 : i32
      %mul3A_87 = arith.muli %mul3A_67, %mul3A_86 : i32
      %add3A_88 = arith.addi %add3A, %mul3A_87 : i32
      %dma_wait3A_89 = arith.constant 0 : i32
      %dma_wait3A_90 = arith.constant 0 : i32
      %dma_wait3A_91 = arith.constant 0 : i32
      %dma_wait3A_92 = tpu.memref_slice %arg7[%dma_wait3A_89, %dma_wait3A_90, %dma_wait3A_91] : memref<2x80x128xf32, #tpu.memory_space<vmem>> -> memref<1x80x128xf32, #tpu.memory_space<vmem>>
      %dma_wait3A_93 = tpu.memref_squeeze %dma_wait3A_92 : memref<1x80x128xf32, #tpu.memory_space<vmem>> -> memref<80x128xf32, #tpu.memory_space<vmem>>
      %dma_wait3A_94 = arith.constant 0 : i32
      %dma_wait3A_95 = tpu.memref_slice %arg2[%add3A_88, %dma_wait3A_94] : memref<158720x128xf32, #tpu.memory_space<hbm>> -> memref<80x128xf32, #tpu.memory_space<hbm>>
      %dma_wait3A_96 = arith.constant 0 : i32
      %dma_wait3A_97 = arith.constant 0 : i32
      %dma_wait3A_98 = tpu.memref_slice %arg7[%dma_wait3A_89, %dma_wait3A_96, %dma_wait3A_97] : memref<2x80x128xf32, #tpu.memory_space<vmem>> -> memref<1x80x128xf32, #tpu.memory_space<vmem>>
      %dma_wait3A_99 = tpu.memref_squeeze %dma_wait3A_98 : memref<1x80x128xf32, #tpu.memory_space<vmem>> -> memref<80x128xf32, #tpu.memory_space<vmem>>
      %dma_wait3A_100 = arith.constant 0 : i32
      %dma_wait3A_101 = tpu.memref_slice %arg2[%add3A_88, %dma_wait3A_100] : memref<158720x128xf32, #tpu.memory_space<hbm>> -> memref<80x128xf32, #tpu.memory_space<hbm>>
      tpu.wait_dma2 semaphore(%arg9 : memref<!tpu.dma_semaphore, #tpu.memory_space<semaphore_mem>>) src(%dma_wait3A_101 : memref<80x128xf32, #tpu.memory_space<hbm>>) dst(%dma_wait3A_99 : memref<80x128xf32, #tpu.memory_space<vmem>>)
      %run_scoped3A_102 = arith.constant 0 : i32
      "tpu.region"() ({
        %run_scoped3A_143 = tpu.sem_alloc : memref<!tpu.dma_semaphore, #tpu.memory_space<semaphore_mem>>
        %dma_start3A_144 = arith.constant 0 : i32
        %dma_start3A_145 = arith.constant 0 : i32
        %dma_start3A_146 = tpu.memref_slice %arg7[%run_scoped3A_102, %dma_start3A_144, %dma_start3A_145] : memref<2x80x128xf32, #tpu.memory_space<vmem>> -> memref<1x80x128xf32, #tpu.memory_space<vmem>>
        %dma_start3A_147 = tpu.memref_squeeze %dma_start3A_146 : memref<1x80x128xf32, #tpu.memory_space<vmem>> -> memref<80x128xf32, #tpu.memory_space<vmem>>
        %dma_start3A_148 = arith.constant 0 : i32
        %dma_start3A_149 = tpu.memref_slice %arg6[%mul3A_67, %dma_start3A_148] : memref<62x80xi32, #tpu.memory_space<vmem>> -> memref<1x80xi32, #tpu.memory_space<vmem>>
        %dma_start3A_150 = tpu.memref_squeeze %dma_start3A_149 : memref<1x80xi32, #tpu.memory_space<vmem>> -> memref<80xi32, #tpu.memory_space<vmem>>
        %dma_start3A_151 = arith.constant 0 : i32
        %dma_start3A_152 = arith.constant 0 : i32
        %dma_start3A_153 = tpu.memref_slice %arg8[%dma_start3A_151, %dma_start3A_152] : memref<10000x128xf32, #tpu.memory_space<vmem_shared>> -> memref<10000x128xf32, #tpu.memory_space<vmem_shared>>
        tpu.enqueue_indirect_dma source(%dma_start3A_147 : memref<80x128xf32, #tpu.memory_space<vmem>>) target(%dma_start3A_153 : memref<10000x128xf32, #tpu.memory_space<vmem_shared>>) offsets(%dma_start3A_150 : memref<80xi32, #tpu.memory_space<vmem>>) semaphore(%run_scoped3A_143 : memref<!tpu.dma_semaphore, #tpu.memory_space<semaphore_mem>>) {add = true}
        %dma_wait3A_154 = arith.constant 0 : i32
        %dma_wait3A_155 = arith.constant 0 : i32
        %dma_wait3A_156 = tpu.memref_slice %arg7[%run_scoped3A_102, %dma_wait3A_154, %dma_wait3A_155] : memref<2x80x128xf32, #tpu.memory_space<vmem>> -> memref<1x80x128xf32, #tpu.memory_space<vmem>>
        %dma_wait3A_157 = tpu.memref_squeeze %dma_wait3A_156 : memref<1x80x128xf32, #tpu.memory_space<vmem>> -> memref<80x128xf32, #tpu.memory_space<vmem>>
        %dma_wait3A_158 = arith.constant 0 : i32
        %dma_wait3A_159 = tpu.memref_slice %arg6[%mul3A_67, %dma_wait3A_158] : memref<62x80xi32, #tpu.memory_space<vmem>> -> memref<1x80xi32, #tpu.memory_space<vmem>>
        %dma_wait3A_160 = tpu.memref_squeeze %dma_wait3A_159 : memref<1x80xi32, #tpu.memory_space<vmem>> -> memref<80xi32, #tpu.memory_space<vmem>>
        %dma_wait3A_161 = arith.constant 0 : i32
        %dma_wait3A_162 = arith.constant 0 : i32
        %dma_wait3A_163 = tpu.memref_slice %arg8[%dma_wait3A_161, %dma_wait3A_162] : memref<10000x128xf32, #tpu.memory_space<vmem_shared>> -> memref<10000x128xf32, #tpu.memory_space<vmem_shared>>
        tpu.wait_indirect_dma semaphore(%run_scoped3A_143 : memref<!tpu.dma_semaphore, #tpu.memory_space<semaphore_mem>>) src(%dma_wait3A_157 : memref<80x128xf32, #tpu.memory_space<vmem>>) dst(%dma_wait3A_163 : memref<10000x128xf32, #tpu.memory_space<vmem_shared>>)
        tpu.yield
      }) : () -> ()
      %add3A_103 = arith.constant 2 : i32
      %add3A_104 = arith.addi %mul3A_67, %add3A_103 : i32
      %mul3A_105 = arith.constant 80 : i32
      %mul3A_106 = arith.muli %add3A_104, %mul3A_105 : i32
      %add3A_107 = arith.addi %add3A, %mul3A_106 : i32
      %dma_start3A_108 = arith.constant 0 : i32
      %dma_start3A_109 = arith.constant 0 : i32
      %dma_start3A_110 = arith.constant 0 : i32
      %dma_start3A_111 = tpu.memref_slice %arg7[%dma_start3A_108, %dma_start3A_109, %dma_start3A_110] : memref<2x80x128xf32, #tpu.memory_space<vmem>> -> memref<1x80x128xf32, #tpu.memory_space<vmem>>
      %dma_start3A_112 = tpu.memref_squeeze %dma_start3A_111 : memref<1x80x128xf32, #tpu.memory_space<vmem>> -> memref<80x128xf32, #tpu.memory_space<vmem>>
      %dma_start3A_113 = arith.constant 0 : i32
      %dma_start3A_114 = tpu.memref_slice %arg2[%add3A_107, %dma_start3A_113] : memref<158720x128xf32, #tpu.memory_space<hbm>> -> memref<80x128xf32, #tpu.memory_space<hbm>>
      %dma_start3A_115 = arith.constant 0 : i32
      %dma_start3A_116 = arith.constant 0 : i32
      %dma_start3A_117 = tpu.memref_slice %arg7[%dma_start3A_108, %dma_start3A_115, %dma_start3A_116] : memref<2x80x128xf32, #tpu.memory_space<vmem>> -> memref<1x80x128xf32, #tpu.memory_space<vmem>>
      %dma_start3A_118 = tpu.memref_squeeze %dma_start3A_117 : memref<1x80x128xf32, #tpu.memory_space<vmem>> -> memref<80x128xf32, #tpu.memory_space<vmem>>
      %dma_start3A_119 = arith.constant 0 : i32
      %dma_start3A_120 = tpu.memref_slice %arg2[%add3A_107, %dma_start3A_119] : memref<158720x128xf32, #tpu.memory_space<hbm>> -> memref<80x128xf32, #tpu.memory_space<hbm>>
      tpu.enqueue_dma source(%dma_start3A_120 : memref<80x128xf32, #tpu.memory_space<hbm>>) target(%dma_start3A_118 : memref<80x128xf32, #tpu.memory_space<vmem>>) target_semaphore(%arg9 : memref<!tpu.dma_semaphore, #tpu.memory_space<semaphore_mem>>)
      %add3A_121 = arith.constant 1 : i32
      %add3A_122 = arith.addi %mul3A_67, %add3A_121 : i32
      %mul3A_123 = arith.constant 80 : i32
      %mul3A_124 = arith.muli %add3A_122, %mul3A_123 : i32
      %add3A_125 = arith.addi %add3A, %mul3A_124 : i32
      %dma_wait3A_126 = arith.constant 1 : i32
      %dma_wait3A_127 = arith.constant 0 : i32
      %dma_wait3A_128 = arith.constant 0 : i32
      %dma_wait3A_129 = tpu.memref_slice %arg7[%dma_wait3A_126, %dma_wait3A_127, %dma_wait3A_128] : memref<2x80x128xf32, #tpu.memory_space<vmem>> -> memref<1x80x128xf32, #tpu.memory_space<vmem>>
      %dma_wait3A_130 = tpu.memref_squeeze %dma_wait3A_129 : memref<1x80x128xf32, #tpu.memory_space<vmem>> -> memref<80x128xf32, #tpu.memory_space<vmem>>
      %dma_wait3A_131 = arith.constant 0 : i32
      %dma_wait3A_132 = tpu.memref_slice %arg2[%add3A_125, %dma_wait3A_131] : memref<158720x128xf32, #tpu.memory_space<hbm>> -> memref<80x128xf32, #tpu.memory_space<hbm>>
      %dma_wait3A_133 = arith.constant 0 : i32
      %dma_wait3A_134 = arith.constant 0 : i32
      %dma_wait3A_135 = tpu.memref_slice %arg7[%dma_wait3A_126, %dma_wait3A_133, %dma_wait3A_134] : memref<2x80x128xf32, #tpu.memory_space<vmem>> -> memref<1x80x128xf32, #tpu.memory_space<vmem>>
      %dma_wait3A_136 = tpu.memref_squeeze %dma_wait3A_135 : memref<1x80x128xf32, #tpu.memory_space<vmem>> -> memref<80x128xf32, #tpu.memory_space<vmem>>
      %dma_wait3A_137 = arith.constant 0 : i32
      %dma_wait3A_138 = tpu.memref_slice %arg2[%add3A_125, %dma_wait3A_137] : memref<158720x128xf32, #tpu.memory_space<hbm>> -> memref<80x128xf32, #tpu.memory_space<hbm>>
      tpu.wait_dma2 semaphore(%arg10 : memref<!tpu.dma_semaphore, #tpu.memory_space<semaphore_mem>>) src(%dma_wait3A_138 : memref<80x128xf32, #tpu.memory_space<hbm>>) dst(%dma_wait3A_136 : memref<80x128xf32, #tpu.memory_space<vmem>>)
      %add3A_139 = arith.constant 1 : i32
      %add3A_140 = arith.addi %mul3A_67, %add3A_139 : i32
      %run_scoped3A_141 = arith.constant 1 : i32
      "tpu.region"() ({
        %run_scoped3A_143 = tpu.sem_alloc : memref<!tpu.dma_semaphore, #tpu.memory_space<semaphore_mem>>
        %dma_start3A_144 = arith.constant 0 : i32
        %dma_start3A_145 = arith.constant 0 : i32
        %dma_start3A_146 = tpu.memref_slice %arg7[%run_scoped3A_141, %dma_start3A_144, %dma_start3A_145] : memref<2x80x128xf32, #tpu.memory_space<vmem>> -> memref<1x80x128xf32, #tpu.memory_space<vmem>>
        %dma_start3A_147 = tpu.memref_squeeze %dma_start3A_146 : memref<1x80x128xf32, #tpu.memory_space<vmem>> -> memref<80x128xf32, #tpu.memory_space<vmem>>
        %dma_start3A_148 = arith.constant 0 : i32
        %dma_start3A_149 = tpu.memref_slice %arg6[%add3A_140, %dma_start3A_148] : memref<62x80xi32, #tpu.memory_space<vmem>> -> memref<1x80xi32, #tpu.memory_space<vmem>>
        %dma_start3A_150 = tpu.memref_squeeze %dma_start3A_149 : memref<1x80xi32, #tpu.memory_space<vmem>> -> memref<80xi32, #tpu.memory_space<vmem>>
        %dma_start3A_151 = arith.constant 0 : i32
        %dma_start3A_152 = arith.constant 0 : i32
        %dma_start3A_153 = tpu.memref_slice %arg8[%dma_start3A_151, %dma_start3A_152] : memref<10000x128xf32, #tpu.memory_space<vmem_shared>> -> memref<10000x128xf32, #tpu.memory_space<vmem_shared>>
        tpu.enqueue_indirect_dma source(%dma_start3A_147 : memref<80x128xf32, #tpu.memory_space<vmem>>) target(%dma_start3A_153 : memref<10000x128xf32, #tpu.memory_space<vmem_shared>>) offsets(%dma_start3A_150 : memref<80xi32, #tpu.memory_space<vmem>>) semaphore(%run_scoped3A_143 : memref<!tpu.dma_semaphore, #tpu.memory_space<semaphore_mem>>) {add = true}
        %dma_wait3A_154 = arith.constant 0 : i32
        %dma_wait3A_155 = arith.constant 0 : i32
        %dma_wait3A_156 = tpu.memref_slice %arg7[%run_scoped3A_141, %dma_wait3A_154, %dma_wait3A_155] : memref<2x80x128xf32, #tpu.memory_space<vmem>> -> memref<1x80x128xf32, #tpu.memory_space<vmem>>
        %dma_wait3A_157 = tpu.memref_squeeze %dma_wait3A_156 : memref<1x80x128xf32, #tpu.memory_space<vmem>> -> memref<80x128xf32, #tpu.memory_space<vmem>>
        %dma_wait3A_158 = arith.constant 0 : i32
        %dma_wait3A_159 = tpu.memref_slice %arg6[%add3A_140, %dma_wait3A_158] : memref<62x80xi32, #tpu.memory_space<vmem>> -> memref<1x80xi32, #tpu.memory_space<vmem>>
        %dma_wait3A_160 = tpu.memref_squeeze %dma_wait3A_159 : memref<1x80xi32, #tpu.memory_space<vmem>> -> memref<80xi32, #tpu.memory_space<vmem>>
        %dma_wait3A_161 = arith.constant 0 : i32
        %dma_wait3A_162 = arith.constant 0 : i32
        %dma_wait3A_163 = tpu.memref_slice %arg8[%dma_wait3A_161, %dma_wait3A_162] : memref<10000x128xf32, #tpu.memory_space<vmem_shared>> -> memref<10000x128xf32, #tpu.memory_space<vmem_shared>>
        tpu.wait_indirect_dma semaphore(%run_scoped3A_143 : memref<!tpu.dma_semaphore, #tpu.memory_space<semaphore_mem>>) src(%dma_wait3A_157 : memref<80x128xf32, #tpu.memory_space<vmem>>) dst(%dma_wait3A_163 : memref<10000x128xf32, #tpu.memory_space<vmem_shared>>)
        tpu.yield
      }) : () -> ()
      %scan3A_142 = arith.constant 0 : i32
      scf.yield %scan3A_142 : i32
    }
    %scan3A_32 = arith.constant 30 : i32
    %add3A_33 = arith.constant 4800 : i32
    %add3A_34 = arith.addi %add3A, %add3A_33 : i32
    %dma_wait3A = arith.constant 0 : i32
    %dma_wait3A_35 = arith.constant 0 : i32
    %dma_wait3A_36 = arith.constant 0 : i32
    %dma_wait3A_37 = tpu.memref_slice %arg7[%dma_wait3A, %dma_wait3A_35, %dma_wait3A_36] : memref<2x80x128xf32, #tpu.memory_space<vmem>> -> memref<1x80x128xf32, #tpu.memory_space<vmem>>
    %dma_wait3A_38 = tpu.memref_squeeze %dma_wait3A_37 : memref<1x80x128xf32, #tpu.memory_space<vmem>> -> memref<80x128xf32, #tpu.memory_space<vmem>>
    %dma_wait3A_39 = arith.constant 0 : i32
    %dma_wait3A_40 = tpu.memref_slice %arg2[%add3A_34, %dma_wait3A_39] : memref<158720x128xf32, #tpu.memory_space<hbm>> -> memref<80x128xf32, #tpu.memory_space<hbm>>
    %dma_wait3A_41 = arith.constant 0 : i32
    %dma_wait3A_42 = arith.constant 0 : i32
    %dma_wait3A_43 = tpu.memref_slice %arg7[%dma_wait3A, %dma_wait3A_41, %dma_wait3A_42] : memref<2x80x128xf32, #tpu.memory_space<vmem>> -> memref<1x80x128xf32, #tpu.memory_space<vmem>>
    %dma_wait3A_44 = tpu.memref_squeeze %dma_wait3A_43 : memref<1x80x128xf32, #tpu.memory_space<vmem>> -> memref<80x128xf32, #tpu.memory_space<vmem>>
    %dma_wait3A_45 = arith.constant 0 : i32
    %dma_wait3A_46 = tpu.memref_slice %arg2[%add3A_34, %dma_wait3A_45] : memref<158720x128xf32, #tpu.memory_space<hbm>> -> memref<80x128xf32, #tpu.memory_space<hbm>>
    tpu.wait_dma2 semaphore(%arg9 : memref<!tpu.dma_semaphore, #tpu.memory_space<semaphore_mem>>) src(%dma_wait3A_46 : memref<80x128xf32, #tpu.memory_space<hbm>>) dst(%dma_wait3A_44 : memref<80x128xf32, #tpu.memory_space<vmem>>)
    %run_scoped3A = arith.constant 0 : i32
    %run_scoped3A_47 = arith.constant 60 : i32
    "tpu.region"() ({
      %run_scoped3A_64 = tpu.sem_alloc : memref<!tpu.dma_semaphore, #tpu.memory_space<semaphore_mem>>
      %dma_start3A_65 = arith.constant 0 : i32
      %dma_start3A_66 = arith.constant 0 : i32
      %dma_start3A_67 = tpu.memref_slice %arg7[%run_scoped3A, %dma_start3A_65, %dma_start3A_66] : memref<2x80x128xf32, #tpu.memory_space<vmem>> -> memref<1x80x128xf32, #tpu.memory_space<vmem>>
      %dma_start3A_68 = tpu.memref_squeeze %dma_start3A_67 : memref<1x80x128xf32, #tpu.memory_space<vmem>> -> memref<80x128xf32, #tpu.memory_space<vmem>>
      %dma_start3A_69 = arith.constant 0 : i32
      %dma_start3A_70 = tpu.memref_slice %arg6[%run_scoped3A_47, %dma_start3A_69] : memref<62x80xi32, #tpu.memory_space<vmem>> -> memref<1x80xi32, #tpu.memory_space<vmem>>
      %dma_start3A_71 = tpu.memref_squeeze %dma_start3A_70 : memref<1x80xi32, #tpu.memory_space<vmem>> -> memref<80xi32, #tpu.memory_space<vmem>>
      %dma_start3A_72 = arith.constant 0 : i32
      %dma_start3A_73 = arith.constant 0 : i32
      %dma_start3A_74 = tpu.memref_slice %arg8[%dma_start3A_72, %dma_start3A_73] : memref<10000x128xf32, #tpu.memory_space<vmem_shared>> -> memref<10000x128xf32, #tpu.memory_space<vmem_shared>>
      tpu.enqueue_indirect_dma source(%dma_start3A_68 : memref<80x128xf32, #tpu.memory_space<vmem>>) target(%dma_start3A_74 : memref<10000x128xf32, #tpu.memory_space<vmem_shared>>) offsets(%dma_start3A_71 : memref<80xi32, #tpu.memory_space<vmem>>) semaphore(%run_scoped3A_64 : memref<!tpu.dma_semaphore, #tpu.memory_space<semaphore_mem>>) {add = true}
      %dma_wait3A_75 = arith.constant 0 : i32
      %dma_wait3A_76 = arith.constant 0 : i32
      %dma_wait3A_77 = tpu.memref_slice %arg7[%run_scoped3A, %dma_wait3A_75, %dma_wait3A_76] : memref<2x80x128xf32, #tpu.memory_space<vmem>> -> memref<1x80x128xf32, #tpu.memory_space<vmem>>
      %dma_wait3A_78 = tpu.memref_squeeze %dma_wait3A_77 : memref<1x80x128xf32, #tpu.memory_space<vmem>> -> memref<80x128xf32, #tpu.memory_space<vmem>>
      %dma_wait3A_79 = arith.constant 0 : i32
      %dma_wait3A_80 = tpu.memref_slice %arg6[%run_scoped3A_47, %dma_wait3A_79] : memref<62x80xi32, #tpu.memory_space<vmem>> -> memref<1x80xi32, #tpu.memory_space<vmem>>
      %dma_wait3A_81 = tpu.memref_squeeze %dma_wait3A_80 : memref<1x80xi32, #tpu.memory_space<vmem>> -> memref<80xi32, #tpu.memory_space<vmem>>
      %dma_wait3A_82 = arith.constant 0 : i32
      %dma_wait3A_83 = arith.constant 0 : i32
      %dma_wait3A_84 = tpu.memref_slice %arg8[%dma_wait3A_82, %dma_wait3A_83] : memref<10000x128xf32, #tpu.memory_space<vmem_shared>> -> memref<10000x128xf32, #tpu.memory_space<vmem_shared>>
      tpu.wait_indirect_dma semaphore(%run_scoped3A_64 : memref<!tpu.dma_semaphore, #tpu.memory_space<semaphore_mem>>) src(%dma_wait3A_78 : memref<80x128xf32, #tpu.memory_space<vmem>>) dst(%dma_wait3A_84 : memref<10000x128xf32, #tpu.memory_space<vmem_shared>>)
      tpu.yield
    }) : () -> ()
    %add3A_48 = arith.constant 4880 : i32
    %add3A_49 = arith.addi %add3A, %add3A_48 : i32
    %run_scoped3A_50 = arith.constant 1 : i32
    "tpu.region"() ({
      %run_scoped3A_64 = tpu.sem_alloc : memref<!tpu.dma_semaphore, #tpu.memory_space<semaphore_mem>>
      %dma_start3A_65 = arith.constant 0 : i32
      %dma_start3A_66 = arith.constant 0 : i32
      %dma_start3A_67 = tpu.memref_slice %arg7[%run_scoped3A_50, %dma_start3A_65, %dma_start3A_66] : memref<2x80x128xf32, #tpu.memory_space<vmem>> -> memref<1x80x128xf32, #tpu.memory_space<vmem>>
      %dma_start3A_68 = tpu.memref_squeeze %dma_start3A_67 : memref<1x80x128xf32, #tpu.memory_space<vmem>> -> memref<80x128xf32, #tpu.memory_space<vmem>>
      %dma_start3A_69 = arith.constant 0 : i32
      %dma_start3A_70 = tpu.memref_slice %arg2[%add3A_49, %dma_start3A_69] : memref<158720x128xf32, #tpu.memory_space<hbm>> -> memref<80x128xf32, #tpu.memory_space<hbm>>
      %dma_start3A_71 = arith.constant 0 : i32
      %dma_start3A_72 = arith.constant 0 : i32
      %dma_start3A_73 = tpu.memref_slice %arg7[%run_scoped3A_50, %dma_start3A_71, %dma_start3A_72] : memref<2x80x128xf32, #tpu.memory_space<vmem>> -> memref<1x80x128xf32, #tpu.memory_space<vmem>>
      %dma_start3A_74 = tpu.memref_squeeze %dma_start3A_73 : memref<1x80x128xf32, #tpu.memory_space<vmem>> -> memref<80x128xf32, #tpu.memory_space<vmem>>
      %dma_start3A_75 = arith.constant 0 : i32
      %dma_start3A_76 = tpu.memref_slice %arg2[%add3A_49, %dma_start3A_75] : memref<158720x128xf32, #tpu.memory_space<hbm>> -> memref<80x128xf32, #tpu.memory_space<hbm>>
      tpu.enqueue_dma source(%dma_start3A_76 : memref<80x128xf32, #tpu.memory_space<hbm>>) target(%dma_start3A_74 : memref<80x128xf32, #tpu.memory_space<vmem>>) target_semaphore(%run_scoped3A_64 : memref<!tpu.dma_semaphore, #tpu.memory_space<semaphore_mem>>)
      %dma_wait3A_77 = arith.constant 0 : i32
      %dma_wait3A_78 = arith.constant 0 : i32
      %dma_wait3A_79 = tpu.memref_slice %arg7[%run_scoped3A_50, %dma_wait3A_77, %dma_wait3A_78] : memref<2x80x128xf32, #tpu.memory_space<vmem>> -> memref<1x80x128xf32, #tpu.memory_space<vmem>>
      %dma_wait3A_80 = tpu.memref_squeeze %dma_wait3A_79 : memref<1x80x128xf32, #tpu.memory_space<vmem>> -> memref<80x128xf32, #tpu.memory_space<vmem>>
      %dma_wait3A_81 = arith.constant 0 : i32
      %dma_wait3A_82 = tpu.memref_slice %arg2[%add3A_49, %dma_wait3A_81] : memref<158720x128xf32, #tpu.memory_space<hbm>> -> memref<80x128xf32, #tpu.memory_space<hbm>>
      %dma_wait3A_83 = arith.constant 0 : i32
      %dma_wait3A_84 = arith.constant 0 : i32
      %dma_wait3A_85 = tpu.memref_slice %arg7[%run_scoped3A_50, %dma_wait3A_83, %dma_wait3A_84] : memref<2x80x128xf32, #tpu.memory_space<vmem>> -> memref<1x80x128xf32, #tpu.memory_space<vmem>>
      %dma_wait3A_86 = tpu.memref_squeeze %dma_wait3A_85 : memref<1x80x128xf32, #tpu.memory_space<vmem>> -> memref<80x128xf32, #tpu.memory_space<vmem>>
      %dma_wait3A_87 = arith.constant 0 : i32
      %dma_wait3A_88 = tpu.memref_slice %arg2[%add3A_49, %dma_wait3A_87] : memref<158720x128xf32, #tpu.memory_space<hbm>> -> memref<80x128xf32, #tpu.memory_space<hbm>>
      tpu.wait_dma2 semaphore(%run_scoped3A_64 : memref<!tpu.dma_semaphore, #tpu.memory_space<semaphore_mem>>) src(%dma_wait3A_88 : memref<80x128xf32, #tpu.memory_space<hbm>>) dst(%dma_wait3A_86 : memref<80x128xf32, #tpu.memory_space<vmem>>)
      tpu.yield
    }) : () -> ()
    %run_scoped3A_51 = arith.constant 1 : i32
    %run_scoped3A_52 = arith.constant 61 : i32
    "tpu.region"() ({
      %run_scoped3A_64 = tpu.sem_alloc : memref<!tpu.dma_semaphore, #tpu.memory_space<semaphore_mem>>
      %dma_start3A_65 = arith.constant 0 : i32
      %dma_start3A_66 = arith.constant 0 : i32
      %dma_start3A_67 = tpu.memref_slice %arg7[%run_scoped3A_51, %dma_start3A_65, %dma_start3A_66] : memref<2x80x128xf32, #tpu.memory_space<vmem>> -> memref<1x80x128xf32, #tpu.memory_space<vmem>>
      %dma_start3A_68 = tpu.memref_squeeze %dma_start3A_67 : memref<1x80x128xf32, #tpu.memory_space<vmem>> -> memref<80x128xf32, #tpu.memory_space<vmem>>
      %dma_start3A_69 = arith.constant 0 : i32
      %dma_start3A_70 = tpu.memref_slice %arg6[%run_scoped3A_52, %dma_start3A_69] : memref<62x80xi32, #tpu.memory_space<vmem>> -> memref<1x80xi32, #tpu.memory_space<vmem>>
      %dma_start3A_71 = tpu.memref_squeeze %dma_start3A_70 : memref<1x80xi32, #tpu.memory_space<vmem>> -> memref<80xi32, #tpu.memory_space<vmem>>
      %dma_start3A_72 = arith.constant 0 : i32
      %dma_start3A_73 = arith.constant 0 : i32
      %dma_start3A_74 = tpu.memref_slice %arg8[%dma_start3A_72, %dma_start3A_73] : memref<10000x128xf32, #tpu.memory_space<vmem_shared>> -> memref<10000x128xf32, #tpu.memory_space<vmem_shared>>
      tpu.enqueue_indirect_dma source(%dma_start3A_68 : memref<80x128xf32, #tpu.memory_space<vmem>>) target(%dma_start3A_74 : memref<10000x128xf32, #tpu.memory_space<vmem_shared>>) offsets(%dma_start3A_71 : memref<80xi32, #tpu.memory_space<vmem>>) semaphore(%run_scoped3A_64 : memref<!tpu.dma_semaphore, #tpu.memory_space<semaphore_mem>>) {add = true}
      %dma_wait3A_75 = arith.constant 0 : i32
      %dma_wait3A_76 = arith.constant 0 : i32
      %dma_wait3A_77 = tpu.memref_slice %arg7[%run_scoped3A_51, %dma_wait3A_75, %dma_wait3A_76] : memref<2x80x128xf32, #tpu.memory_space<vmem>> -> memref<1x80x128xf32, #tpu.memory_space<vmem>>
      %dma_wait3A_78 = tpu.memref_squeeze %dma_wait3A_77 : memref<1x80x128xf32, #tpu.memory_space<vmem>> -> memref<80x128xf32, #tpu.memory_space<vmem>>
      %dma_wait3A_79 = arith.constant 0 : i32
      %dma_wait3A_80 = tpu.memref_slice %arg6[%run_scoped3A_52, %dma_wait3A_79] : memref<62x80xi32, #tpu.memory_space<vmem>> -> memref<1x80xi32, #tpu.memory_space<vmem>>
      %dma_wait3A_81 = tpu.memref_squeeze %dma_wait3A_80 : memref<1x80xi32, #tpu.memory_space<vmem>> -> memref<80xi32, #tpu.memory_space<vmem>>
      %dma_wait3A_82 = arith.constant 0 : i32
      %dma_wait3A_83 = arith.constant 0 : i32
      %dma_wait3A_84 = tpu.memref_slice %arg8[%dma_wait3A_82, %dma_wait3A_83] : memref<10000x128xf32, #tpu.memory_space<vmem_shared>> -> memref<10000x128xf32, #tpu.memory_space<vmem_shared>>
      tpu.wait_indirect_dma semaphore(%run_scoped3A_64 : memref<!tpu.dma_semaphore, #tpu.memory_space<semaphore_mem>>) src(%dma_wait3A_78 : memref<80x128xf32, #tpu.memory_space<vmem>>) dst(%dma_wait3A_84 : memref<10000x128xf32, #tpu.memory_space<vmem_shared>>)
      tpu.yield
    }) : () -> ()
    %barrier3A_53 = arith.constant 0 : index
    tpu.barrier barrier_id(%barrier3A_53)
    %lt3A_54 = arith.constant 15 : i32
    %lt3A_55 = arith.cmpi slt, %arg1, %lt3A_54 : i32
    %convert_element_type3A_56 = arith.extui %lt3A_55 : i1 to i32
    %cond3A_57 = arith.constant 0 : i32
    %cond3A_58 = arith.cmpi ne, %convert_element_type3A_56, %cond3A_57 : i32
    scf.if %cond3A_58 {
      "tpu.region"() ({
        %run_scoped3A_64 = tpu.sem_alloc : memref<!tpu.dma_semaphore, #tpu.memory_space<semaphore_mem>>
        %dma_start3A_65 = tpu.memref_slice %arg5[%mul3A_2, %mul3A_0] : memref<10000x256xf32, #tpu.memory_space<hbm>> -> memref<640x128xf32, #tpu.memory_space<hbm>>
        %dma_start3A_66 = arith.constant 0 : i32
        %dma_start3A_67 = tpu.memref_slice %arg8[%mul3A_2, %dma_start3A_66] : memref<10000x128xf32, #tpu.memory_space<vmem_shared>> -> memref<640x128xf32, #tpu.memory_space<vmem_shared>>
        tpu.enqueue_dma source(%dma_start3A_67 : memref<640x128xf32, #tpu.memory_space<vmem_shared>>) target(%dma_start3A_65 : memref<640x128xf32, #tpu.memory_space<hbm>>) target_semaphore(%run_scoped3A_64 : memref<!tpu.dma_semaphore, #tpu.memory_space<semaphore_mem>>)
        %dma_wait3A_68 = tpu.memref_slice %arg5[%mul3A_2, %mul3A_0] : memref<10000x256xf32, #tpu.memory_space<hbm>> -> memref<640x128xf32, #tpu.memory_space<hbm>>
        %dma_wait3A_69 = arith.constant 0 : i32
        %dma_wait3A_70 = tpu.memref_slice %arg8[%mul3A_2, %dma_wait3A_69] : memref<10000x128xf32, #tpu.memory_space<vmem_shared>> -> memref<640x128xf32, #tpu.memory_space<vmem_shared>>
        tpu.wait_dma2 semaphore(%run_scoped3A_64 : memref<!tpu.dma_semaphore, #tpu.memory_space<semaphore_mem>>) src(%dma_wait3A_70 : memref<640x128xf32, #tpu.memory_space<vmem_shared>>) dst(%dma_wait3A_68 : memref<640x128xf32, #tpu.memory_space<hbm>>)
        tpu.yield
      }) : () -> ()
    } else {
    }
    %eq3A_59 = arith.constant 15 : i32
    %eq3A_60 = arith.cmpi eq, %arg1, %eq3A_59 : i32
    %convert_element_type3A_61 = arith.extui %eq3A_60 : i1 to i32
    %cond3A_62 = arith.constant 0 : i32
    %cond3A_63 = arith.cmpi ne, %convert_element_type3A_61, %cond3A_62 : i32
    scf.if %cond3A_63 {
      "tpu.region"() ({
        %run_scoped3A_64 = tpu.sem_alloc : memref<!tpu.dma_semaphore, #tpu.memory_space<semaphore_mem>>
        %dma_start3A_65 = tpu.memref_slice %arg5[%mul3A_2, %mul3A_0] : memref<10000x256xf32, #tpu.memory_space<hbm>> -> memref<400x128xf32, #tpu.memory_space<hbm>>
        %dma_start3A_66 = arith.constant 0 : i32
        %dma_start3A_67 = tpu.memref_slice %arg8[%mul3A_2, %dma_start3A_66] : memref<10000x128xf32, #tpu.memory_space<vmem_shared>> -> memref<400x128xf32, #tpu.memory_space<vmem_shared>>
        tpu.enqueue_dma source(%dma_start3A_67 : memref<400x128xf32, #tpu.memory_space<vmem_shared>>) target(%dma_start3A_65 : memref<400x128xf32, #tpu.memory_space<hbm>>) target_semaphore(%run_scoped3A_64 : memref<!tpu.dma_semaphore, #tpu.memory_space<semaphore_mem>>)
        %dma_wait3A_68 = tpu.memref_slice %arg5[%mul3A_2, %mul3A_0] : memref<10000x256xf32, #tpu.memory_space<hbm>> -> memref<400x128xf32, #tpu.memory_space<hbm>>
        %dma_wait3A_69 = arith.constant 0 : i32
        %dma_wait3A_70 = tpu.memref_slice %arg8[%mul3A_2, %dma_wait3A_69] : memref<10000x128xf32, #tpu.memory_space<vmem_shared>> -> memref<400x128xf32, #tpu.memory_space<vmem_shared>>
        tpu.wait_dma2 semaphore(%run_scoped3A_64 : memref<!tpu.dma_semaphore, #tpu.memory_space<semaphore_mem>>) src(%dma_wait3A_70 : memref<400x128xf32, #tpu.memory_space<vmem_shared>>) dst(%dma_wait3A_68 : memref<400x128xf32, #tpu.memory_space<hbm>>)
        tpu.yield
      }) : () -> ()
    } else {
    }
    return
  }
}

module attributes {stable_mosaic.version = 14 : i64} {
  func.func @_tc_body(%arg0: i32, %arg1: memref<1280x256xf32, #tpu.memory_space<vmem>>, %arg2: memref<256x256xbf16, #tpu.memory_space<vmem>>, %arg3: memref<256x256xbf16, #tpu.memory_space<vmem>>, %arg4: memref<1x256xf32, #tpu.memory_space<vmem>>, %arg5: memref<1x256xf32, #tpu.memory_space<vmem>>, %arg6: memref<1x1xf32, #tpu.memory_space<vmem>>, %arg7: memref<2x1280x128xf32, #tpu.memory_space<vmem>>) attributes {dimension_semantics = [#tpu.dimension_semantics<arbitrary>], iteration_bounds = array<i64: 62>, scalar_prefetch = 0 : i64, scratch_operands = 0 : i64, tpu.core_type = #tpu.core_type<tc>, window_params = [{transform_indices = @transform_0, window_bounds = array<i64: 1280, 256>}, {pipeline_mode = #tpu.pipeline_mode<synchronous>, transform_indices = @transform_1, window_bounds = array<i64: 256, 256>}, {pipeline_mode = #tpu.pipeline_mode<synchronous>, transform_indices = @transform_2, window_bounds = array<i64: 256, 256>}, {pipeline_mode = #tpu.pipeline_mode<synchronous>, transform_indices = @transform_3, window_bounds = array<i64: 1, 256>}, {pipeline_mode = #tpu.pipeline_mode<synchronous>, transform_indices = @transform_4, window_bounds = array<i64: 1, 256>}, {pipeline_mode = #tpu.pipeline_mode<synchronous>, transform_indices = @transform_5, window_bounds = array<i64: 1, 1>}, {transform_indices = @transform_6, window_bounds = array<i64: 2, 1280, 128>}]} {
    %get3A = arith.constant 0 : index
    %get3A_0 = arith.constant 0 : index
    %get3A_1 = vector.load %arg1[%get3A, %get3A_0] : memref<1280x256xf32, #tpu.memory_space<vmem>>, vector<1280x256xf32>
    %convert_element_type3A = arith.truncf %get3A_1 : vector<1280x256xf32> to vector<1280x256xbf16>
    %get3A_2 = arith.constant 0 : index
    %get3A_3 = arith.constant 0 : index
    %get3A_4 = vector.load %arg2[%get3A_2, %get3A_3] : memref<256x256xbf16, #tpu.memory_space<vmem>>, vector<256x256xbf16>
    %dot_general3A = arith.constant dense<0.000000e+00> : vector<1280x256xf32>
    %dot_general3A_5 = tpu.matmul %convert_element_type3A, %get3A_4, %dot_general3A {dimension_numbers = #tpu.dot_dimension_numbers<[1], [0], [0], [1], [0, 0, 1, 1], [], []>, transpose_lhs_hint = false} : vector<1280x256xbf16>, vector<256x256xbf16>, vector<1280x256xf32> -> vector<1280x256xf32>
    %get3A_6 = arith.constant 0 : index
    %get3A_7 = arith.constant 0 : index
    %get3A_8 = vector.load %arg3[%get3A_6, %get3A_7] : memref<256x256xbf16, #tpu.memory_space<vmem>>, vector<256x256xbf16>
    %dot_general3A_9 = arith.constant dense<0.000000e+00> : vector<1280x256xf32>
    %dot_general3A_10 = tpu.matmul %convert_element_type3A, %get3A_8, %dot_general3A_9 {dimension_numbers = #tpu.dot_dimension_numbers<[1], [1], [0], [0], [0, 0, 1, 0], [], []>, transpose_lhs_hint = false} : vector<1280x256xbf16>, vector<256x256xbf16>, vector<1280x256xf32> -> vector<1280x256xf32>
    %get3A_11 = arith.constant 0 : index
    %get3A_12 = arith.constant 0 : index
    %get3A_13 = vector.load %arg4[%get3A_11, %get3A_12] : memref<1x256xf32, #tpu.memory_space<vmem>>, vector<1x256xf32>
    %add3A = vector.broadcast %get3A_13 : vector<1x256xf32> to vector<1280x256xf32>
    %add3A_14 = arith.addf %dot_general3A_5, %add3A : vector<1280x256xf32>
    %mul3A = arith.mulf %get3A_1, %add3A_14 : vector<1280x256xf32>
    %convert_element_type3A_15 = arith.truncf %mul3A : vector<1280x256xf32> to vector<1280x256xbf16>
    %broadcast_in_dim3A = arith.constant 1.000000e+00 : bf16
    %broadcast_in_dim3A_16 = vector.broadcast %broadcast_in_dim3A : bf16 to vector<256x8xbf16>
    %dot_general3A_17 = arith.constant dense<0.000000e+00> : vector<1280x8xf32>
    %dot_general3A_18 = tpu.matmul %convert_element_type3A_15, %broadcast_in_dim3A_16, %dot_general3A_17 {dimension_numbers = #tpu.dot_dimension_numbers<[1], [0], [0], [1], [0, 0, 1, 1], [], []>, transpose_lhs_hint = false} : vector<1280x256xbf16>, vector<256x8xbf16>, vector<1280x8xf32> -> vector<1280x8xf32>
    %slice3A = vector.extract_strided_slice %dot_general3A_18 {offsets = [0, 0], sizes = [1280, 1], strides = [1, 1]} : vector<1280x8xf32> to vector<1280x1xf32>
    %get3A_19 = arith.constant 0 : index
    %get3A_20 = arith.constant 0 : index
    %get3A_21 = vector.load %arg6[%get3A_19, %get3A_20] : memref<1x1xf32, #tpu.memory_space<vmem>>, vector<1x1xf32>
    %add3A_22 = vector.broadcast %get3A_21 : vector<1x1xf32> to vector<1280x1xf32>
    %add3A_23 = arith.addf %slice3A, %add3A_22 : vector<1280x1xf32>
    %neg3A = arith.constant 0.000000e+00 : f32
    %neg3A_24 = vector.broadcast %neg3A : f32 to vector<1280x1xf32>
    %neg3A_25 = arith.subf %neg3A_24, %add3A_23 : vector<1280x1xf32>
    %exp3A = math.exp %neg3A_25 : vector<1280x1xf32>
    %add3A_26 = arith.constant 1.000000e+00 : f32
    %add3A_27 = vector.broadcast %add3A_26 : f32 to vector<1280x1xf32>
    %add3A_28 = arith.addf %add3A_27, %exp3A : vector<1280x1xf32>
    %div3A = arith.constant 1.000000e+00 : f32
    %div3A_29 = vector.broadcast %div3A : f32 to vector<1280x1xf32>
    %div3A_30 = arith.divf %div3A_29, %add3A_28 : vector<1280x1xf32>
    %get3A_31 = arith.constant 0 : index
    %get3A_32 = arith.constant 0 : index
    %get3A_33 = vector.load %arg5[%get3A_31, %get3A_32] : memref<1x256xf32, #tpu.memory_space<vmem>>, vector<1x256xf32>
    %add3A_34 = vector.broadcast %get3A_33 : vector<1x256xf32> to vector<1280x256xf32>
    %add3A_35 = arith.addf %dot_general3A_10, %add3A_34 : vector<1280x256xf32>
    %mul3A_36 = vector.broadcast %div3A_30 : vector<1280x1xf32> to vector<1280x256xf32>
    %mul3A_37 = arith.mulf %add3A_35, %mul3A_36 : vector<1280x256xf32>
    %slice3A_38 = vector.extract_strided_slice %mul3A_37 {offsets = [0, 0], sizes = [1280, 128], strides = [1, 1]} : vector<1280x256xf32> to vector<1280x128xf32>
    %swap3A = arith.constant 0 : index
    %swap3A_39 = arith.constant 0 : index
    %swap3A_40 = arith.constant 0 : index
    %swap3A_41 = vector.load %arg7[%swap3A, %swap3A_39, %swap3A_40] : memref<2x1280x128xf32, #tpu.memory_space<vmem>>, vector<1x1280x128xf32>
    %swap3A_42 = vector.shape_cast %swap3A_41 : vector<1x1280x128xf32> to vector<1280x128xf32>
    %swap3A_43 = vector.shape_cast %slice3A_38 : vector<1280x128xf32> to vector<1x1280x128xf32>
    tpu.vector_store %arg7[%swap3A, %swap3A_39, %swap3A_40], %swap3A_43 {strides = array<i32>} : memref<2x1280x128xf32, #tpu.memory_space<vmem>>, vector<1x1280x128xf32>,
    %slice3A_44 = vector.extract_strided_slice %mul3A_37 {offsets = [0, 128], sizes = [1280, 128], strides = [1, 1]} : vector<1280x256xf32> to vector<1280x128xf32>
    %swap3A_45 = arith.constant 1 : index
    %swap3A_46 = arith.constant 0 : index
    %swap3A_47 = arith.constant 0 : index
    %swap3A_48 = vector.load %arg7[%swap3A_45, %swap3A_46, %swap3A_47] : memref<2x1280x128xf32, #tpu.memory_space<vmem>>, vector<1x1280x128xf32>
    %swap3A_49 = vector.shape_cast %swap3A_48 : vector<1x1280x128xf32> to vector<1280x128xf32>
    %swap3A_50 = vector.shape_cast %slice3A_44 : vector<1280x128xf32> to vector<1x1280x128xf32>
    tpu.vector_store %arg7[%swap3A_45, %swap3A_46, %swap3A_47], %swap3A_50 {strides = array<i32>} : memref<2x1280x128xf32, #tpu.memory_space<vmem>>, vector<1x1280x128xf32>,
    return
  }
  func.func @transform_0(%arg0: i32) -> (i32, i32) {
    %add3A = arith.constant 63 : i32
    %add3A_0 = arith.addi %arg0, %add3A : i32
    %c0_i32 = arith.constant 0 : i32
    %c0_i32_1 = arith.constant 0 : i32
    return %add3A_0, %c0_i32 : i32, i32
  }
  func.func @transform_1(%arg0: i32) -> (i32, i32) {
    %c0_i32 = arith.constant 0 : i32
    %c0_i32_0 = arith.constant 0 : i32
    %c0_i32_1 = arith.constant 0 : i32
    return %c0_i32, %c0_i32_0 : i32, i32
  }
  func.func @transform_2(%arg0: i32) -> (i32, i32) {
    %c0_i32 = arith.constant 0 : i32
    %c0_i32_0 = arith.constant 0 : i32
    %c0_i32_1 = arith.constant 0 : i32
    return %c0_i32, %c0_i32_0 : i32, i32
  }
  func.func @transform_3(%arg0: i32) -> (i32, i32) {
    %c0_i32 = arith.constant 0 : i32
    %c0_i32_0 = arith.constant 0 : i32
    %c0_i32_1 = arith.constant 0 : i32
    return %c0_i32, %c0_i32_0 : i32, i32
  }
  func.func @transform_4(%arg0: i32) -> (i32, i32) {
    %c0_i32 = arith.constant 0 : i32
    %c0_i32_0 = arith.constant 0 : i32
    %c0_i32_1 = arith.constant 0 : i32
    return %c0_i32, %c0_i32_0 : i32, i32
  }
  func.func @transform_5(%arg0: i32) -> (i32, i32) {
    %c0_i32 = arith.constant 0 : i32
    %c0_i32_0 = arith.constant 0 : i32
    %c0_i32_1 = arith.constant 0 : i32
    return %c0_i32, %c0_i32_0 : i32, i32
  }
  func.func @transform_6(%arg0: i32) -> (i32, i32, i32) {
    %c0_i32 = arith.constant 0 : i32
    %c0_i32_0 = arith.constant 0 : i32
    %c0_i32_1 = arith.constant 0 : i32
    return %c0_i32, %arg0, %c0_i32_0 : i32, i32, i32
  }
}

module attributes {stable_mosaic.version = 14 : i64} {
  func.func @_tc_body(%arg0: i32, %arg1: memref<1280x256xf32, #tpu.memory_space<vmem>>, %arg2: memref<256x256xbf16, #tpu.memory_space<vmem>>, %arg3: memref<256x256xbf16, #tpu.memory_space<vmem>>, %arg4: memref<1x256xf32, #tpu.memory_space<vmem>>, %arg5: memref<1x256xf32, #tpu.memory_space<vmem>>, %arg6: memref<1x1xf32, #tpu.memory_space<vmem>>, %arg7: memref<2x1280x128xf32, #tpu.memory_space<vmem>>) attributes {dimension_semantics = [#tpu.dimension_semantics<arbitrary>], iteration_bounds = array<i64: 63>, scalar_prefetch = 0 : i64, scratch_operands = 0 : i64, tpu.core_type = #tpu.core_type<tc>, window_params = [{transform_indices = @transform_0, window_bounds = array<i64: 1280, 256>}, {pipeline_mode = #tpu.pipeline_mode<synchronous>, transform_indices = @transform_1, window_bounds = array<i64: 256, 256>}, {pipeline_mode = #tpu.pipeline_mode<synchronous>, transform_indices = @transform_2, window_bounds = array<i64: 256, 256>}, {pipeline_mode = #tpu.pipeline_mode<synchronous>, transform_indices = @transform_3, window_bounds = array<i64: 1, 256>}, {pipeline_mode = #tpu.pipeline_mode<synchronous>, transform_indices = @transform_4, window_bounds = array<i64: 1, 256>}, {pipeline_mode = #tpu.pipeline_mode<synchronous>, transform_indices = @transform_5, window_bounds = array<i64: 1, 1>}, {transform_indices = @transform_6, window_bounds = array<i64: 2, 1280, 128>}]} {
    %get3A = arith.constant 0 : index
    %get3A_0 = arith.constant 0 : index
    %get3A_1 = vector.load %arg1[%get3A, %get3A_0] : memref<1280x256xf32, #tpu.memory_space<vmem>>, vector<1280x256xf32>
    %convert_element_type3A = arith.truncf %get3A_1 : vector<1280x256xf32> to vector<1280x256xbf16>
    %get3A_2 = arith.constant 0 : index
    %get3A_3 = arith.constant 0 : index
    %get3A_4 = vector.load %arg2[%get3A_2, %get3A_3] : memref<256x256xbf16, #tpu.memory_space<vmem>>, vector<256x256xbf16>
    %dot_general3A = arith.constant dense<0.000000e+00> : vector<1280x256xf32>
    %dot_general3A_5 = tpu.matmul %convert_element_type3A, %get3A_4, %dot_general3A {dimension_numbers = #tpu.dot_dimension_numbers<[1], [0], [0], [1], [0, 0, 1, 1], [], []>, transpose_lhs_hint = false} : vector<1280x256xbf16>, vector<256x256xbf16>, vector<1280x256xf32> -> vector<1280x256xf32>
    %get3A_6 = arith.constant 0 : index
    %get3A_7 = arith.constant 0 : index
    %get3A_8 = vector.load %arg3[%get3A_6, %get3A_7] : memref<256x256xbf16, #tpu.memory_space<vmem>>, vector<256x256xbf16>
    %dot_general3A_9 = arith.constant dense<0.000000e+00> : vector<1280x256xf32>
    %dot_general3A_10 = tpu.matmul %convert_element_type3A, %get3A_8, %dot_general3A_9 {dimension_numbers = #tpu.dot_dimension_numbers<[1], [1], [0], [0], [0, 0, 1, 0], [], []>, transpose_lhs_hint = false} : vector<1280x256xbf16>, vector<256x256xbf16>, vector<1280x256xf32> -> vector<1280x256xf32>
    %get3A_11 = arith.constant 0 : index
    %get3A_12 = arith.constant 0 : index
    %get3A_13 = vector.load %arg4[%get3A_11, %get3A_12] : memref<1x256xf32, #tpu.memory_space<vmem>>, vector<1x256xf32>
    %add3A = vector.broadcast %get3A_13 : vector<1x256xf32> to vector<1280x256xf32>
    %add3A_14 = arith.addf %dot_general3A_5, %add3A : vector<1280x256xf32>
    %mul3A = arith.mulf %get3A_1, %add3A_14 : vector<1280x256xf32>
    %convert_element_type3A_15 = arith.truncf %mul3A : vector<1280x256xf32> to vector<1280x256xbf16>
    %broadcast_in_dim3A = arith.constant 1.000000e+00 : bf16
    %broadcast_in_dim3A_16 = vector.broadcast %broadcast_in_dim3A : bf16 to vector<256x8xbf16>
    %dot_general3A_17 = arith.constant dense<0.000000e+00> : vector<1280x8xf32>
    %dot_general3A_18 = tpu.matmul %convert_element_type3A_15, %broadcast_in_dim3A_16, %dot_general3A_17 {dimension_numbers = #tpu.dot_dimension_numbers<[1], [0], [0], [1], [0, 0, 1, 1], [], []>, transpose_lhs_hint = false} : vector<1280x256xbf16>, vector<256x8xbf16>, vector<1280x8xf32> -> vector<1280x8xf32>
    %slice3A = vector.extract_strided_slice %dot_general3A_18 {offsets = [0, 0], sizes = [1280, 1], strides = [1, 1]} : vector<1280x8xf32> to vector<1280x1xf32>
    %get3A_19 = arith.constant 0 : index
    %get3A_20 = arith.constant 0 : index
    %get3A_21 = vector.load %arg6[%get3A_19, %get3A_20] : memref<1x1xf32, #tpu.memory_space<vmem>>, vector<1x1xf32>
    %add3A_22 = vector.broadcast %get3A_21 : vector<1x1xf32> to vector<1280x1xf32>
    %add3A_23 = arith.addf %slice3A, %add3A_22 : vector<1280x1xf32>
    %neg3A = arith.constant 0.000000e+00 : f32
    %neg3A_24 = vector.broadcast %neg3A : f32 to vector<1280x1xf32>
    %neg3A_25 = arith.subf %neg3A_24, %add3A_23 : vector<1280x1xf32>
    %exp3A = math.exp %neg3A_25 : vector<1280x1xf32>
    %add3A_26 = arith.constant 1.000000e+00 : f32
    %add3A_27 = vector.broadcast %add3A_26 : f32 to vector<1280x1xf32>
    %add3A_28 = arith.addf %add3A_27, %exp3A : vector<1280x1xf32>
    %div3A = arith.constant 1.000000e+00 : f32
    %div3A_29 = vector.broadcast %div3A : f32 to vector<1280x1xf32>
    %div3A_30 = arith.divf %div3A_29, %add3A_28 : vector<1280x1xf32>
    %get3A_31 = arith.constant 0 : index
    %get3A_32 = arith.constant 0 : index
    %get3A_33 = vector.load %arg5[%get3A_31, %get3A_32] : memref<1x256xf32, #tpu.memory_space<vmem>>, vector<1x256xf32>
    %add3A_34 = vector.broadcast %get3A_33 : vector<1x256xf32> to vector<1280x256xf32>
    %add3A_35 = arith.addf %dot_general3A_10, %add3A_34 : vector<1280x256xf32>
    %mul3A_36 = vector.broadcast %div3A_30 : vector<1280x1xf32> to vector<1280x256xf32>
    %mul3A_37 = arith.mulf %add3A_35, %mul3A_36 : vector<1280x256xf32>
    %slice3A_38 = vector.extract_strided_slice %mul3A_37 {offsets = [0, 0], sizes = [1280, 128], strides = [1, 1]} : vector<1280x256xf32> to vector<1280x128xf32>
    %swap3A = arith.constant 0 : index
    %swap3A_39 = arith.constant 0 : index
    %swap3A_40 = arith.constant 0 : index
    %swap3A_41 = vector.load %arg7[%swap3A, %swap3A_39, %swap3A_40] : memref<2x1280x128xf32, #tpu.memory_space<vmem>>, vector<1x1280x128xf32>
    %swap3A_42 = vector.shape_cast %swap3A_41 : vector<1x1280x128xf32> to vector<1280x128xf32>
    %swap3A_43 = vector.shape_cast %slice3A_38 : vector<1280x128xf32> to vector<1x1280x128xf32>
    tpu.vector_store %arg7[%swap3A, %swap3A_39, %swap3A_40], %swap3A_43 {strides = array<i32>} : memref<2x1280x128xf32, #tpu.memory_space<vmem>>, vector<1x1280x128xf32>,
    %slice3A_44 = vector.extract_strided_slice %mul3A_37 {offsets = [0, 128], sizes = [1280, 128], strides = [1, 1]} : vector<1280x256xf32> to vector<1280x128xf32>
    %swap3A_45 = arith.constant 1 : index
    %swap3A_46 = arith.constant 0 : index
    %swap3A_47 = arith.constant 0 : index
    %swap3A_48 = vector.load %arg7[%swap3A_45, %swap3A_46, %swap3A_47] : memref<2x1280x128xf32, #tpu.memory_space<vmem>>, vector<1x1280x128xf32>
    %swap3A_49 = vector.shape_cast %swap3A_48 : vector<1x1280x128xf32> to vector<1280x128xf32>
    %swap3A_50 = vector.shape_cast %slice3A_44 : vector<1280x128xf32> to vector<1x1280x128xf32>
    tpu.vector_store %arg7[%swap3A_45, %swap3A_46, %swap3A_47], %swap3A_50 {strides = array<i32>} : memref<2x1280x128xf32, #tpu.memory_space<vmem>>, vector<1x1280x128xf32>,
    return
  }
  func.func @transform_0(%arg0: i32) -> (i32, i32) {
    %add3A = arith.constant 0 : i32
    %add3A_0 = arith.addi %arg0, %add3A : i32
    %c0_i32 = arith.constant 0 : i32
    %c0_i32_1 = arith.constant 0 : i32
    return %add3A_0, %c0_i32 : i32, i32
  }
  func.func @transform_1(%arg0: i32) -> (i32, i32) {
    %c0_i32 = arith.constant 0 : i32
    %c0_i32_0 = arith.constant 0 : i32
    %c0_i32_1 = arith.constant 0 : i32
    return %c0_i32, %c0_i32_0 : i32, i32
  }
  func.func @transform_2(%arg0: i32) -> (i32, i32) {
    %c0_i32 = arith.constant 0 : i32
    %c0_i32_0 = arith.constant 0 : i32
    %c0_i32_1 = arith.constant 0 : i32
    return %c0_i32, %c0_i32_0 : i32, i32
  }
  func.func @transform_3(%arg0: i32) -> (i32, i32) {
    %c0_i32 = arith.constant 0 : i32
    %c0_i32_0 = arith.constant 0 : i32
    %c0_i32_1 = arith.constant 0 : i32
    return %c0_i32, %c0_i32_0 : i32, i32
  }
  func.func @transform_4(%arg0: i32) -> (i32, i32) {
    %c0_i32 = arith.constant 0 : i32
    %c0_i32_0 = arith.constant 0 : i32
    %c0_i32_1 = arith.constant 0 : i32
    return %c0_i32, %c0_i32_0 : i32, i32
  }
  func.func @transform_5(%arg0: i32) -> (i32, i32) {
    %c0_i32 = arith.constant 0 : i32
    %c0_i32_0 = arith.constant 0 : i32
    %c0_i32_1 = arith.constant 0 : i32
    return %c0_i32, %c0_i32_0 : i32, i32
  }
  func.func @transform_6(%arg0: i32) -> (i32, i32, i32) {
    %c0_i32 = arith.constant 0 : i32
    %c0_i32_0 = arith.constant 0 : i32
    %c0_i32_1 = arith.constant 0 : i32
    return %c0_i32, %arg0, %c0_i32_0 : i32, i32, i32
  }
}

</mosaic_0001>

<sc_bundles>
// kernel: kernel.6.cloned.1.call-start
scs
__scs_entry_jumppad:
0x0: {  	(pc) =	sbr.rel $0x88, $3  }
0x1: {  	(tag) =	ssettag $0x0;
	lr =	simm.s32 $0x1  }
0x2: {  	[smem:$0x3F98] =	sst lr;
	_ =	strace $0xD0000000  }
0x3: {  	_ = 	snop  }
0x4: {  	_ = 	snop  }
0x5: {  	_ = 	snop  }
0x6: {  	_ = 	snop  }
0x7: {  	_ = 	snop  }
__scs_overlays_trampoline_lowered:
0x8: {  	[smem:$0x3FA7] =	sst s0  }
0x9: {  	[smem:$0x3FA8] =	sst s1  }
0xa: {  	[smem:$0x3FA9] =	sst s2  }
0xb: {  	[smem:$0x3FAA] =	sst s3  }
0xc: {  	[smem:$0x3FAB] =	sst s4  }
0xd: {  	[smem:$0x3FAC] =	sst s5  }
0xe: {  	[smem:$0x3FAD] =	sst s6  }
0xf: {  	[smem:$0x3FAE] =	sst s7  }
0x10: {  	[smem:$0x3FAF] =	sst s8  }
0x11: {  	[smem:$0x3FB0] =	sst s9;
	s0 =	simm.s32 @!p0 $0x0  }
0x12: {  	s1 =	sld [smem:$0x3F96];
	s0 =	simm.s32 @p0 $0x1  }
0x13: {  	[smem:$0x3FB1] =	sst s0;
	s0 =	simm.s32 @!p1 $0x0  }
0x14: {  	s2 =	sld [smem:$0x3F95];
	s0 =	simm.s32 @p1 $0x1  }
0x15: {  	[smem:$0x3FB2] =	sst s0;
	s0 =	simm.s32 @!p2 $0x0  }
0x16: {  	s3 =	sld [smem:$0x3FDB];
	s0 =	simm.s32 @p2 $0x1  }
0x17: {  	s4 =	simm.s32 $0x1BF5;
	[smem:$0x3FB4] =	sst s0  }
0x18: {  	s0 =	sld [smem:$0x3F97];
	_ =	swait.ge [sflag:s4], $0x0  }
0x19: {  	s7 =	sld [smem:$0x3F98]  }
0x1a: {  	s8 =	sadd.s32 $0xFFFFE003, lr  }
0x1b: {  	s9 =	sadd.s32 $0xFFFFFEF7, lr;
	s5 =	simm.s32 $0xFFFFFFFF;
	p2 =	slt.u32 s8, $0xFFFFF086  }
0x1c: {  	p1 =	slt.u32 s9, $0xF7A;
	s5 =	simm.s32 @!p2 $0x0  }
0x1d: {  	s5 =	simm.s32 @p1 $0x1;
	p0 =	seq.s32 s7, s2  }
0x1e: {  	s7 =	smul.u32 @!p0 $0xF7A, s2;
	p2 =	seq.s32 @!p0 s5, $0x0  }
0x1f: {  	s9 =	smul.u32 $0xF7A, s1;
	s8 =	simm.s32 @!p0 $0x1BF5;
	p2 =	por !p2, p0  }
0x20: {  	[sflag:s8] =	ssyncset.s32 @!p0 $0xFFFFF086;
	s6 =	sadd.s32 @!p0 s3, s7;
	s7 =	simm.s32 @!p0 $0x108  }
0x21: {  	s3 =	sadd.s32 s3, s9;
	s6 =	sadd.s32 @!p0 $0x88, s6;
	s7 =	simm.s32 @p2 $0x1082  }
0x22: {  	[simem:s7], [sflag:s8] =	dma.local @!p0 [hbm:s6], $0xF7A  }
0x23: {  	s9 =	sor.u32 $0xD0000000, s2;
	s6 =	simm.s32 $0x108;
	_ =	swait.ge @!p0 [sflag:s8], $0x0  }
0x24: {  	s3 =	sadd.s32 $0x88, s3;
	s6 =	simm.s32 @!p1 $0x1082;
	[sflag:s4] =	ssyncset.s32 $0xFFFFF086  }
0x25: {  	[simem:s6], [sflag:s4] =	dma.local [hbm:s3], $0xF7A  }
0x26: {  	[smem:$0x3F98] =	sst s1;
	(tag) =	ssettag s2;
	_ =	strace s9  }
0x27: {  	s1 =	sld [smem:$0x3FA8]  }
0x28: {  	s2 =	sld [smem:$0x3FA9]  }
0x29: {  	s4 =	sld [smem:$0x3FAB]  }
0x2a: {  	p0 =	seq.s32 s5, $0x0;
	s5 =	sld [smem:$0x3FAC]  }
0x2b: {  	s6 =	sld [smem:$0x3FAD]  }
0x2c: {  	s7 =	sld [smem:$0x3FAE]  }
0x2d: {  	s3 =	simm.s32 $0x108;
	s8 =	sld [smem:$0x3FAF]  }
0x2e: {  	s3 =	simm.s32 @!p0 $0x1082;
	s9 =	sld [smem:$0x3FB0]  }
0x2f: {  	lr =	sadd.s32 s0, s3;
	s0 =	sld [smem:$0x3FA7]  }
0x30: {  	s3 =	sld [smem:$0x3FAA]  }
0x31: {  	[smem:$0x3FB3] =	sst s10  }
0x32: {  	s10 =	sld [smem:$0x3FB1];
	_ =	sdelay $0x3  }
0x33: {  	p0 =	seq.s32 s10, $0x1;
	s10 =	sld [smem:$0x3FB3];
	_ =	sdelay $0x3  }
0x34: {  	[smem:$0x3FB3] =	sst s10  }
0x35: {  	s10 =	sld [smem:$0x3FB2];
	_ =	sdelay $0x3  }
0x36: {  	p1 =	seq.s32 s10, $0x1;
	s10 =	sld [smem:$0x3FB3];
	_ =	sdelay $0x3  }
0x37: {  	[smem:$0x3FB3] =	sst s10  }
0x38: {  	s10 =	sld [smem:$0x3FB4]  }
0x39: {  	_ = 	snop;
	(pc) =	sbr.ind lr, $3  }
0x3a: {  	_ = 	snop  }
0x3b: {  	_ = 	snop  }
0x3c: {  	p2 =	seq.s32 s10, $0x1;
	s10 =	sld [smem:$0x3FB3]  }
0x3d: {  	_ =	shalt  }
0x3e: {  	_ =	shalt  }
0x3f: {  	_ =	shalt  }
0x40: {  	_ =	shalt  }
0x41: {  	_ =	shalt  }
0x42: {  	_ =	shalt  }
0x43: {  	_ =	shalt  }
0x44: {  	_ =	shalt  }
0x45: {  	_ =	shalt  }
0x46: {  	_ =	shalt  }
0x47: {  	_ =	shalt  }
0x48: {  	_ =	shalt  }
0x49: {  	_ =	shalt  }
0x4a: {  	_ =	shalt  }
0x4b: {  	_ =	shalt  }
0x4c: {  	_ =	shalt  }
0x4d: {  	_ =	shalt  }
0x4e: {  	_ =	shalt  }
0x4f: {  	_ =	shalt  }
0x50: {  	_ =	shalt  }
0x51: {  	_ =	shalt  }
0x52: {  	_ =	shalt  }
0x53: {  	_ =	shalt  }
0x54: {  	_ =	shalt  }
0x55: {  	_ =	shalt  }
0x56: {  	_ =	shalt  }
0x57: {  	_ =	shalt  }
0x58: {  	_ =	shalt  }
0x59: {  	_ =	shalt  }
0x5a: {  	_ =	shalt  }
0x5b: {  	_ =	shalt  }
0x5c: {  	_ =	shalt  }
0x5d: {  	_ =	shalt  }
0x5e: {  	_ =	shalt  }
0x5f: {  	_ =	shalt  }
0x60: {  	_ =	shalt  }
0x61: {  	_ =	shalt  }
0x62: {  	_ =	shalt  }
0x63: {  	_ =	shalt  }
0x64: {  	_ =	shalt  }
0x65: {  	_ =	shalt  }
0x66: {  	_ =	shalt  }
0x67: {  	_ =	shalt  }
0x68: {  	_ =	shalt  }
0x69: {  	_ =	shalt  }
0x6a: {  	_ =	shalt  }
0x6b: {  	_ =	shalt  }
0x6c: {  	_ =	shalt  }
0x6d: {  	_ =	shalt  }
0x6e: {  	_ =	shalt  }
0x6f: {  	_ =	shalt  }
0x70: {  	_ =	shalt  }
0x71: {  	_ =	shalt  }
0x72: {  	_ =	shalt  }
0x73: {  	_ =	shalt  }
0x74: {  	_ =	shalt  }
0x75: {  	_ =	shalt  }
0x76: {  	_ =	shalt  }
0x77: {  	_ =	shalt  }
0x78: {  	_ =	shalt  }
0x79: {  	_ =	shalt  }
0x7a: {  	_ =	shalt  }
0x7b: {  	_ =	shalt  }
0x7c: {  	_ =	shalt  }
0x7d: {  	_ =	shalt  }
0x7e: {  	_ =	shalt  }
0x7f: {  	_ =	shalt  }
0x80: {  	_ =	shalt  }
0x81: {  	_ =	shalt  }
0x82: {  	_ =	shalt  }
0x83: {  	_ =	shalt  }
0x84: {  	_ =	shalt  }
0x85: {  	_ =	shalt  }
0x86: {  	_ =	shalt  }
0x87: {  	_ =	shalt  }
.Lfunc_end0:
.L_simem_size_0:
called_computation_lowered:
.L_overlay_start_0:
0x88: {  	s2 =	sld [smem:$0x3FD9]  }
0x89: {  	s3 =	sld [smem:$0x3FFE];
	_ =	sdelay $0x1  }
0x8a: {  	s1 =	srdreg.scid  }
0x8b: {  	s0 =	sand.u32 $0x1, s1  }
0x8c: {  	s16 =	sshll.u32 s0, $0xA;
	s2 =	sadd.s32 s3, s2  }
0x8d: {  	s2 =	sadd.s32 s2, s16  }
0x8e: {  	[smem:$0x3FBF] =	sst s2  }
0x8f: {  	_ = 	snop  }
0x90: {  	(tm) =	ssettm $0x1  }
0x91: {  	s17 =	sld [smem:$0x3FFB];
	_ =	sdelay $0x3  }
0x92: {  	_ =	strace s17  }
0x93: {  	s2 =	sld [smem:$0x3FFC];
	_ =	sdelay $0x3  }
0x94: {  	_ =	strace s2  }
0x95: {  	s2 =	sld [smem:$0x3FFD];
	_ =	sdelay $0x3  }
0x96: {  	_ =	strace s2  }
0x97: {  	_ =	strace $0x8FFFFFFF  }
0x98: {  	s18 =	sld [smem:$0x3FDB];
	_ =	sdelay $0x1  }
0x99: {  	s19 =	simm.s32 $_scs_section_size  }
0x9a: {  	s4 =	simm.s32 $_size__tile_overlayer_lowered;
	s5 =	simm.s32 $_tile_overlayer_lowered  }
0x9b: {  	s22 =	simm.s32 $0x1BFF;
	s21 =	sshll.u32 s5, $0x1;
	s2 =	sadd.s32 s19, s18  }
0x9c: {  	s6 =	simm.s32 $0x0;
	s20 =	sshll.u32 s4, $0x1;
	s4 =	sadd.s32 s21, s2  }
0x9d: {  	[timem:s6], [sflag:s22] =	dma.local [hbm:s4], s20  }
0x9e: {  	_ =	swait.ge [sflag:s22], s20  }
0x9f: {  	s3 =	ssub.s32 $0x0, s20;
	[sflag:s22] =	ssyncset.done $0x0  }
0xa0: {  	[sflag:s22] =	ssyncadd.s32 s3;
	_ =	sdelay $0x1  }
0xa1: {  	s23 =	simm.s32 $0x1B8B  }
0xa2: {  	_ =	swait.ge [sflag:s23], $0x1  }
0xa3: {  	[sflag:s23] =	ssyncset.done $0x0  }
0xa4: {  	s25 =	simm.s32 $0x1B8E;
	s24 =	sld [smem:$0x3FFE];
	[sflag:s23] =	ssyncadd.s32 $0xFFFFFFFF  }
0xa5: {  	s26 =	simm.s32 $execute0_lowered;
	[smem:$0x3FD2] =	sst s25  }
0xa6: {  	s4 =	sshll.u32 s26, $0x1;
	_ =	strace $0x80000046;
	[dreg:$0x1] =	wrdreg $0xFFFFFFFF  }
0xa7: {  	s28 =	simm.s32 $_size_execute0_lowered;
	s2 =	sadd.s32 s2, s4;
	[dreg:$0x0] =	wrdreg $0x0  }
0xa8: {  	s4 =	sshll.u32 s28, $0x1;
	[dreg:$0x2] =	wrdreg s2  }
0xa9: {  	[dreg:$0x3] =	wrdreg s4  }
0xaa: {  	[dreg:$0x4] =	wrdreg $0xC0  }
0xab: {  	_ =	task [dreg:s6], $0x5FFFF  }
0xac: {  	[dreg:$0x1] =	wrdreg $0xFFFFFFFF  }
0xad: {  	[dreg:$0x0] =	wrdreg $0x60  }
0xae: {  	[dreg:$0x2] =	wrdreg s24  }
0xaf: {  	[dreg:$0x3] =	wrdreg $0x70000  }
0xb0: {  	[dreg:$0x4] =	wrdreg $0x9  }
0xb1: {  	_ =	task.clear_ibuf [dreg:s6], $0x5FFFF;
	_ =	strace $0x90000046  }
0xb2: {  	s29 =	simm.s32 $0x9;
	_ =	strace $0x80000048  }
0xb3: {  	_ =	swait.ge [sflag:s29], $0x1  }
0xb4: {  	[sflag:s29] =	ssyncadd.s32 $0xFFFFFFFF  }
0xb5: {  	_ =	strace $0x90000048  }
0xb6: {  	_ =	sfence  }
0xb7: {  	s30 =	sld [smem:$0x0];
	_ =	sdelay $0x2  }
0xb8: {  	s31 =	sshll.u32 s1, $0xD;
	s1 =	sshrl.u32 s1, $0x2  }
0xb9: {  	s3 =	sand.u32 $0x4000, s31;
	s1 =	sadd.s32 s1, s30  }
0xba: {  	s0 =	sor.u32 s3, s0;
	s1 =	sshll.u32 s1, $0x11  }
0xbb: {  	s0 =	sor.u32 s1, s0  }
0xbc: {  	s0 =	sadd.s32 $0x8F2B, s0  }
0xbd: {  	[sflag:s0] =	ssyncadd.remote.s32 $0x1  }
0xbe: {  	_ =	sfence.sel $0xFFFF  }
0xbf: {  	[dreg:$0x0] =	wrdreg $0xFFFFFFFF;
	(pc) =	sbr.abs _section_cstart, $3  }
0xc0: {  	[dreg:$0x1] =	wrdreg $0xFFFFFFFF  }
0xc1: {  	_ =	task.clear_ibuf [dreg:s6], $0x2FFFF;
	_ =	strace $0x9FFFFFFF  }
0xc2: {  	(tm) =	ssettm $0x7FFFFFFF  }
0xc3: {  	_ =	shalt  }
tec
execute0_lowered:
.L_overlay_start_1:
0x0: {  	(tag) =	ssettag $0x1  }
0x1: {  	s4 =	rddreg [dreg:$0x0]  }
0x2: {  	s1 =	rddreg [dreg:$0x1]  }
0x3: {  	s0 =	rddreg [dreg:$0x2];
	s2 =	simm.s32 $0x0  }
0x4: {  	s3 =	srdreg.scid;
	s15 =	simm.s32 $0x1;
	s16 =	simm.s32 $0x50  }
0x5: {  	s17 =	simm.s32 $0x2;
	s18 =	simm.s32 $0x1F00;
	s9 =	sand.u32 $0x1, s3  }
0x6: {  	s20 =	simm.s32 $0x0;
	s3 =	stileid.u32;
	s5 =	smul.u32 $0x13B00, s9  }
0x7: {  	[smem:$0x7FF] =	sst s2;
	s10 =	sadd.s32 $0x4C00, s4;
	s8 =	smul.u32 $0x13B0, s3  }
0x8: {  	s12 =	sadd.s32 $0x27AC00, s4;
	s19 =	sadd.s32 $0x12C000, s1;
	s28 =	smul.u32 $0x50000, s3  }
0x9: {  	_ =	strace $0x80000047;
	s6 =	sshll.u32 s3, $0xA;
	s13 =	smul.u32 $0x28000, s3  }
0xa: {  	s7 =	ssub.s32 $0x2, s9;
	p0 =	seq.s32 s3, $0xF;
	s30 =	smul.u32 $0x13B000, s9  }
0xb: {  	s29 =	sshll.u32 s9, $0xA;
	s14 =	smul.u32 $0x13B00, s3;
	s9 =	sshll.u32 s9, $0x7  }
0xc: {  	s6 =	sadd.s32 s6, s4;
	s11 =	sshrl.u32 s7, $0x1;
	s4 =	simm.s32 $0x5  }
0xd: {  	s9 =	sadd.s32 s9, s12;
	s19 =	sshrl.u32 @p0 s19, $0x3;
	s11 =	ssub.s32 s7, s11  }
0xe: {  	s5 =	sadd.s32 s8, s5;
	s4 =	simm.s32 @!p0 $0x8;
	s7 =	sshrl.u32 s28, $0x2  }
0xf: {  	s9 =	sadd.s32 $0x4B000, s9;
	s8 =	sshll.u32 s5, $0x4;
	s5 =	sadd.s32 $0xC00, s6  }
0x10: {  	s7 =	sadd.s32 s7, s1;
	s6 =	sadd.s32 s10, s8;
	s8 =	sor.u32 s29, s13  }
0x11: {  	s10 =	sadd.s32 s30, s10;
	s13 =	simm.s32 $0x3;
	s8 =	sshrl.u32 s8, $0x3  }
0x12: {  	s31 =	sadd.s32 s14, s10;
	s10 =	smax.u32 s11, $0x1;
	s14 =	simm.s32 $0x4800  }
0x13: {  	v0 =	vimm.f32 $0.0e+00;
	s8 =	sadd.s32 s12, s8;
	s11 =	sadd.s32 $0xA00, s31;
	s12 =	simm.s32 $0x2000  }
.LBB2_1:
0x14: {  	s21 =	sand.u32 $0xFE00, s2  }
0x15: {  	s22 =	sand.u32 $0x70, s2;
	s23 =	sshrl.u32 s21, $0x2  }
0x16: {  	s21 =	simm.s32 $0x40;
	s23 =	sor.u32 s22, s23;
	s22 =	simm.s32 $0x0  }
.LBB2_2:
0x17: {  	p1 =	sne.s32 s21, $0x9FC0  }
0x18: {  	[tilespmem:s23+$0x2000] =	vst v0;
	s22 =	sadd.s32 $0x10, s22;
	s23 =	smov.u32 s21;
	s21 =	sadd.s32 $0x40, s21  }
.Ltmp0:
0x19: {  	(pc) =	sbr.rel @p1 .LBB2_2-.Ltmp0, $4  }
0x1a: {  	_ = 	snop  }
0x1b: {  	s23 =	sand.u32 $0xFE00, s23  }
0x1c: {  	s24 =	sand.u32 $0x70, s22;
	s23 =	sshrl.u32 s23, $0x2  }
0x1d: {  	s23 =	sor.u32 s24, s23  }
0x1e: {  	p1 =	sne.s32 s4, $0x1  }
.Ltmp1:
0x1f: {  	_ = 	snop;
	(pc) =	sbr.rel @!p1 .LBB2_5-.Ltmp1, $4  }
0x20: {  	[tilespmem:s23+$0x2000] =	vst v0  }
0x21: {  	[spmem:s7] =	stream.linear.scatter [tilespmem:s12], [sflag:$0x3], $0x2800, $0x38;
	[tilespmem:$0x1A880] =	vst v63  }
0x22: {  	_ =	swait.ge [sflag:s13], $0x2800  }
0x23: {  	s21 =	sadd.s32 $0xFFFFFFFF, s4;
	s22 =	smov.u32 s7;
	[sflag:s13] =	ssyncset.done $0x0  }
.LBB2_4:
0x24: {  	p1 =	sne.s32 s21, $0x1;
	[sflag:s13] =	ssyncadd.s32 $0xFFFFD800;
	s22 =	sadd.s32 $0x2800, s22  }
.Ltmp2:
0x25: {  	s21 =	sadd.s32 $0xFFFFFFFF, s21;
	(pc) =	sbr.rel @p1 .LBB2_4-.Ltmp2, $4  }
0x26: {  	_ = 	snop  }
0x27: {  	[spmem:s22] =	stream.linear.scatter [tilespmem:s12], [sflag:$0x3], $0x2800, $0x38;
	[tilespmem:$0x1A880] =	vst v63  }
0x28: {  	_ =	swait.ge [sflag:s13], $0x2800  }
0x29: {  	[sflag:s13] =	ssyncset.done $0x0  }
.LBB2_5:
0x2a: {  	[sflag:s13] =	ssyncadd.s32 $0xFFFFD800;
	s21 =	simm.s32 $0x0  }
0x2b: {  	[tilespmem:s21], [sflag:$0x3] =	stream.linear.gather [hbm4b:s5+s21], $0x1F80, $0x38;
	[tilespmem:$0x1A880] =	vst v63  }
0x2c: {  	_ =	swait.ge [sflag:s13], $0x1F80  }
0x2d: {  	[sflag:s13] =	ssyncset.done $0x0  }
0x2e: {  	[sflag:s13] =	ssyncadd.s32 $0xFFFFE080  }
0x2f: {  	[bflag:$0x0] =	sbarrier.arrive $0xFFFF  }
0x30: {  	[tilespmem:s12], [sflag:$0x1] =	stream.linear.gather [hbm4b:s6+s21], $0x2800, $0x38;
	[tilespmem:$0x1A880] =	vst v63  }
0x31: {  	s29 =	sadd.s32 $0xFFFFFB00, s11  }
0x32: {  	[tilespmem:s14], [sflag:$0x2] =	stream.linear.gather [hbm4b:s29+s2], $0x2800, $0x38;
	[tilespmem:$0x1A880] =	vst v63  }
0x33: {  	_ =	swait.ge [sflag:s15], $0x2800  }
0x34: {  	[sflag:s15] =	ssyncset.done $0x0  }
0x35: {  	s30 =	simm.s32 $0x0;
	[sflag:s15] =	ssyncadd.s32 $0xFFFFD800  }
0x36: {  	[spmem:s1] =	stream.indirect.scatter.add.f32 [tilespmem:s12], [sflag:$0x3], $0x80, s30, s16, $0xb8;
	[tilespmem:$0x1A880] =	vst v63  }
0x37: {  	_ =	swait.ge [sflag:s13], $0x2800  }
0x38: {  	[sflag:s13] =	ssyncset.done $0x0  }
0x39: {  	[sflag:s13] =	ssyncadd.s32 $0xFFFFD800  }
0x3a: {  	[tilespmem:s12], [sflag:$0x1] =	stream.linear.gather [hbm4b:s11+s2], $0x2800, $0x38;
	[tilespmem:$0x1A880] =	vst v63  }
0x3b: {  	_ =	swait.ge [sflag:s17], $0x2800  }
0x3c: {  	[sflag:s17] =	ssyncset.done $0x0  }
0x3d: {  	s31 =	simm.s32 $0x80;
	[sflag:s17] =	ssyncadd.s32 $0xFFFFD800  }
0x3e: {  	[spmem:s1] =	stream.indirect.scatter.add.f32 [tilespmem:s14], [sflag:$0x3], $0x80, s31, s16, $0xb8;
	[tilespmem:$0x1A880] =	vst v63  }
0x3f: {  	s22 =	simm.s32 $0x400;
	_ =	swait.ge [sflag:s13], $0x2800  }
0x40: {  	s23 =	simm.s32 $0x800;
	s21 =	sadd.s32 $0xA00, s11;
	[sflag:s13] =	ssyncset.done $0x0  }
.LBB2_6:
0x41: {  	p1 =	sne.s32 s23, $0x7800;
	s24 =	sadd.s32 $0xFFFFFB00, s21;
	[sflag:s13] =	ssyncadd.s32 $0xFFFFD800  }
0x42: {  	[tilespmem:s14], [sflag:$0x2] =	stream.linear.gather [hbm4b:s24+s2], $0x2800, $0x38;
	[tilespmem:$0x1A880] =	vst v63  }
0x43: {  	s24 =	smov.u32 s23;
	s23 =	sadd.s32 $0x400, s23;
	_ =	swait.ge [sflag:s15], $0x2800  }
0x44: {  	[sflag:s15] =	ssyncset.done $0x0  }
0x45: {  	s25 =	sshra.s32 s22, $0x2;
	s22 =	smov.u32 s24;
	[sflag:s15] =	ssyncadd.s32 $0xFFFFD800  }
0x46: {  	[spmem:s1] =	stream.indirect.scatter.add.f32 [tilespmem:s12], [sflag:$0x3], $0x80, s25, s16, $0xb8;
	[tilespmem:$0x1A880] =	vst v63  }
0x47: {  	_ =	swait.ge [sflag:s13], $0x2800  }
0x48: {  	[sflag:s13] =	ssyncset.done $0x0  }
0x49: {  	[sflag:s13] =	ssyncadd.s32 $0xFFFFD800  }
0x4a: {  	[tilespmem:s12], [sflag:$0x1] =	stream.linear.gather [hbm4b:s21+s2], $0x2800, $0x38;
	[tilespmem:$0x1A880] =	vst v63  }
0x4b: {  	_ =	swait.ge [sflag:s17], $0x2800  }
.Ltmp3:
0x4c: {  	[sflag:s17] =	ssyncset.done $0x0;
	(pc) =	sbr.rel @p1 .LBB2_6-.Ltmp3, $4  }
0x4d: {  	s24 =	sadd.s32 $0x80, s25;
	[sflag:s17] =	ssyncadd.s32 $0xFFFFD800  }
0x4e: {  	[spmem:s1] =	stream.indirect.scatter.add.f32 [tilespmem:s14], [sflag:$0x3], $0x80, s24, s16, $0xb8;
	[tilespmem:$0x1A880] =	vst v63  }
0x4f: {  	_ =	swait.ge [sflag:s13], $0x2800  }
0x50: {  	s21 =	sadd.s32 $0xA00, s21;
	[sflag:s13] =	ssyncset.done $0x0  }
0x51: {  	s23 =	sadd.s32 $0xFFFFFB00, s21;
	[sflag:s13] =	ssyncadd.s32 $0xFFFFD800  }
0x52: {  	[tilespmem:s14], [sflag:$0x2] =	stream.linear.gather [hbm4b:s23+s2], $0x2800, $0x38;
	[tilespmem:$0x1A880] =	vst v63  }
0x53: {  	_ =	swait.ge [sflag:s15], $0x2800  }
0x54: {  	[sflag:s15] =	ssyncset.done $0x0  }
0x55: {  	s22 =	sshra.s32 s22, $0x2;
	[sflag:s15] =	ssyncadd.s32 $0xFFFFD800  }
0x56: {  	[spmem:s1] =	stream.indirect.scatter.add.f32 [tilespmem:s12], [sflag:$0x3], $0x80, s22, s16, $0xb8;
	[tilespmem:$0x1A880] =	vst v63  }
0x57: {  	_ =	swait.ge [sflag:s13], $0x2800  }
0x58: {  	[sflag:s13] =	ssyncset.done $0x0  }
0x59: {  	[sflag:s13] =	ssyncadd.s32 $0xFFFFD800  }
0x5a: {  	[tilespmem:s12], [sflag:$0x1] =	stream.linear.gather [hbm4b:s21+s2], $0x2800, $0x38;
	[tilespmem:$0x1A880] =	vst v63  }
0x5b: {  	_ =	swait.ge [sflag:s17], $0x2800  }
0x5c: {  	[sflag:s17] =	ssyncset.done $0x0  }
0x5d: {  	s31 =	sadd.s32 $0x80, s22;
	[sflag:s17] =	ssyncadd.s32 $0xFFFFD800  }
0x5e: {  	[spmem:s1] =	stream.indirect.scatter.add.f32 [tilespmem:s14], [sflag:$0x3], $0x80, s31, s16, $0xb8;
	[tilespmem:$0x1A880] =	vst v63  }
0x5f: {  	_ =	swait.ge [sflag:s13], $0x2800  }
0x60: {  	[sflag:s13] =	ssyncset.done $0x0  }
0x61: {  	[sflag:s13] =	ssyncadd.s32 $0xFFFFD800  }
0x62: {  	_ =	swait.ge [sflag:s15], $0x2800  }
0x63: {  	[sflag:s15] =	ssyncset.done $0x0  }
0x64: {  	[sflag:s15] =	ssyncadd.s32 $0xFFFFD800  }
0x65: {  	[spmem:s1] =	stream.indirect.scatter.add.f32 [tilespmem:s12], [sflag:$0x3], $0x80, s18, s16, $0xb8;
	[tilespmem:$0x1A880] =	vst v63  }
0x66: {  	_ =	swait.ge [sflag:s13], $0x2800  }
0x67: {  	[sflag:s13] =	ssyncset.done $0x0  }
0x68: {  	s24 =	simm.s32 @p0 $0x1FC3;
	s23 =	simm.s32 @p0 $0x80;
	[sflag:s13] =	ssyncadd.s32 $0xFFFFD800  }
0x69: {  	s22 =	simm.s32 @p0 $0x100;
	s21 =	simm.s32 @p0 $0x8;
	[bflag:$0x0] =	sbarrier.arrive $0xFFFF  }
0x6a: {  	[hbm:s9@s22], [sflag:s24] =	dma.strided @p0 [spmem:s19@s23], $0x1900, s21, $0x10   }
0x6b: {  	s25 =	simm.s32 @!p0 $0x80;
	s20 =	sadd.s32 $0x1, s20;
	s21 =	simm.s32 @p0 $0x3  }
0x6c: {  	p1 =	sne.s32 s20, s10;
	s22 =	sshll.u32 @!p0 s3, $0x6;
	_ =	swait.ge @p0 [sflag:s21], $0x1900  }
0x6d: {  	s23 =	simm.s32 @!p0 $0x8;
	s24 =	simm.s32 @!p0 $0x100;
	[sflag:s21] =	ssyncset.done @p0 $0x0  }
0x6e: {  	[sflag:s21] =	ssyncadd.s32 @p0 $0xFFFFE700;
	s21 =	sor.u32 @!p0 $0x1C03, s22;
	s22 =	sshrl.u32 @!p0 s7, $0x3  }
0x6f: {  	[hbm:s8@s24], [sflag:s21] =	dma.strided @!p0 [spmem:s22@s25], $0x2800, s23, $0x10   }
.Ltmp4:
0x70: {  	_ = 	snop;
	(pc) =	sbr.rel @p1 .LBB2_1-.Ltmp4, $4  }
0x71: {  	s21 =	simm.s32 @!p0 $0x3  }
0x72: {  	_ =	swait.ge @!p0 [sflag:s21], $0x2800  }
0x73: {  	[sflag:s21] =	ssyncset.done @!p0 $0x0  }
0x74: {  	[sflag:s21] =	ssyncadd.s32 @!p0 $0xFFFFD800  }
0x75: {  	_ =	sfence.sel $0x180000  }
0x76: {  	[bflag:$0x0] =	sbarrier.arrive $0xFFFF  }
0x77: {  	p0 =	sne.s32 s3, $0x0;
	_ =	strace $0x90000047  }
0x78: {  	s0 =	sadd.s32 @!p0 $0x100000, s0;
	[bflag:$0x2] =	sbarrier.arrive $0xFFFF  }
0x79: {  	[sflag:s0] =	ssyncadd.tile.s32 @!p0 $0x1;
	_ =	shalt  }
.Lfunc_end2:
_tile_overlayer_lowered:
.L_overlay_start_2:
0x7a: {  	(tag) =	ssettag $0x2  }
0x7b: {  	s0 =	rddreg [dreg:$0x0];
	s2 =	stileid.u32  }
0x7c: {  	s1 =	rddreg [dreg:$0x1];
	p0 =	sne.s32 s2, $0x0  }
0x7d: {  	s3 =	rddreg [dreg:$0x2];
	[bflag:$0x3] =	sbarrier.arrive $0xFFFF;
	s2 =	simm.s32 @!p0 $0x1C03  }
0x7e: {  	[timem:s3], [sflag:s2] =	dma.local @!p0 [hbm:s0], s1  }
0x7f: {  	s0 =	simm.s32 @!p0 $0x3  }
0x80: {  	_ =	swait.ge @!p0 [sflag:s0], s1  }
0x81: {  	s1 =	ssub.s32 @!p0 $0x0, s1;
	[sflag:s0] =	ssyncset.done @!p0 $0x0  }
0x82: {  	[sflag:s0] =	ssyncadd.s32 @!p0 s1  }
0x83: {  	[bflag:$0x3] =	sbarrier.arrive $0xFFFF  }
0x84: {  	_ =	shalt  }

// kernel: kernel.9.cloned.1.call-start
scs
__scs_entry_jumppad:
0x0: {  	(pc) =	sbr.rel $0x88, $3  }
0x1: {  	(tag) =	ssettag $0x0;
	lr =	simm.s32 $0x1  }
0x2: {  	[smem:$0x3F98] =	sst lr;
	_ =	strace $0xD0000000  }
0x3: {  	_ = 	snop  }
0x4: {  	_ = 	snop  }
0x5: {  	_ = 	snop  }
0x6: {  	_ = 	snop  }
0x7: {  	_ = 	snop  }
__scs_overlays_trampoline_lowered:
0x8: {  	[smem:$0x3FA7] =	sst s0  }
0x9: {  	[smem:$0x3FA8] =	sst s1  }
0xa: {  	[smem:$0x3FA9] =	sst s2  }
0xb: {  	[smem:$0x3FAA] =	sst s3  }
0xc: {  	[smem:$0x3FAB] =	sst s4  }
0xd: {  	[smem:$0x3FAC] =	sst s5  }
0xe: {  	[smem:$0x3FAD] =	sst s6  }
0xf: {  	[smem:$0x3FAE] =	sst s7  }
0x10: {  	[smem:$0x3FAF] =	sst s8  }
0x11: {  	[smem:$0x3FB0] =	sst s9;
	s0 =	simm.s32 @!p0 $0x0  }
0x12: {  	s1 =	sld [smem:$0x3F96];
	s0 =	simm.s32 @p0 $0x1  }
0x13: {  	[smem:$0x3FB1] =	sst s0;
	s0 =	simm.s32 @!p1 $0x0  }
0x14: {  	s2 =	sld [smem:$0x3F95];
	s0 =	simm.s32 @p1 $0x1  }
0x15: {  	[smem:$0x3FB2] =	sst s0;
	s0 =	simm.s32 @!p2 $0x0  }
0x16: {  	s3 =	sld [smem:$0x3FDB];
	s0 =	simm.s32 @p2 $0x1  }
0x17: {  	s4 =	simm.s32 $0x1BF5;
	[smem:$0x3FB4] =	sst s0  }
0x18: {  	s0 =	sld [smem:$0x3F97];
	_ =	swait.ge [sflag:s4], $0x0  }
0x19: {  	s7 =	sld [smem:$0x3F98]  }
0x1a: {  	s8 =	sadd.s32 $0xFFFFE003, lr  }
0x1b: {  	s9 =	sadd.s32 $0xFFFFFEF7, lr;
	s5 =	simm.s32 $0xFFFFFFFF;
	p2 =	slt.u32 s8, $0xFFFFF086  }
0x1c: {  	p1 =	slt.u32 s9, $0xF7A;
	s5 =	simm.s32 @!p2 $0x0  }
0x1d: {  	s5 =	simm.s32 @p1 $0x1;
	p0 =	seq.s32 s7, s2  }
0x1e: {  	s7 =	smul.u32 @!p0 $0xF7A, s2;
	p2 =	seq.s32 @!p0 s5, $0x0  }
0x1f: {  	s9 =	smul.u32 $0xF7A, s1;
	s8 =	simm.s32 @!p0 $0x1BF5;
	p2 =	por !p2, p0  }
0x20: {  	[sflag:s8] =	ssyncset.s32 @!p0 $0xFFFFF086;
	s6 =	sadd.s32 @!p0 s3, s7;
	s7 =	simm.s32 @!p0 $0x108  }
0x21: {  	s3 =	sadd.s32 s3, s9;
	s6 =	sadd.s32 @!p0 $0x88, s6;
	s7 =	simm.s32 @p2 $0x1082  }
0x22: {  	[simem:s7], [sflag:s8] =	dma.local @!p0 [hbm:s6], $0xF7A  }
0x23: {  	s9 =	sor.u32 $0xD0000000, s2;
	s6 =	simm.s32 $0x108;
	_ =	swait.ge @!p0 [sflag:s8], $0x0  }
0x24: {  	s3 =	sadd.s32 $0x88, s3;
	s6 =	simm.s32 @!p1 $0x1082;
	[sflag:s4] =	ssyncset.s32 $0xFFFFF086  }
0x25: {  	[simem:s6], [sflag:s4] =	dma.local [hbm:s3], $0xF7A  }
0x26: {  	[smem:$0x3F98] =	sst s1;
	(tag) =	ssettag s2;
	_ =	strace s9  }
0x27: {  	s1 =	sld [smem:$0x3FA8]  }
0x28: {  	s2 =	sld [smem:$0x3FA9]  }
0x29: {  	s4 =	sld [smem:$0x3FAB]  }
0x2a: {  	p0 =	seq.s32 s5, $0x0;
	s5 =	sld [smem:$0x3FAC]  }
0x2b: {  	s6 =	sld [smem:$0x3FAD]  }
0x2c: {  	s7 =	sld [smem:$0x3FAE]  }
0x2d: {  	s3 =	simm.s32 $0x108;
	s8 =	sld [smem:$0x3FAF]  }
0x2e: {  	s3 =	simm.s32 @!p0 $0x1082;
	s9 =	sld [smem:$0x3FB0]  }
0x2f: {  	lr =	sadd.s32 s0, s3;
	s0 =	sld [smem:$0x3FA7]  }
0x30: {  	s3 =	sld [smem:$0x3FAA]  }
0x31: {  	[smem:$0x3FB3] =	sst s10  }
0x32: {  	s10 =	sld [smem:$0x3FB1];
	_ =	sdelay $0x3  }
0x33: {  	p0 =	seq.s32 s10, $0x1;
	s10 =	sld [smem:$0x3FB3];
	_ =	sdelay $0x3  }
0x34: {  	[smem:$0x3FB3] =	sst s10  }
0x35: {  	s10 =	sld [smem:$0x3FB2];
	_ =	sdelay $0x3  }
0x36: {  	p1 =	seq.s32 s10, $0x1;
	s10 =	sld [smem:$0x3FB3];
	_ =	sdelay $0x3  }
0x37: {  	[smem:$0x3FB3] =	sst s10  }
0x38: {  	s10 =	sld [smem:$0x3FB4]  }
0x39: {  	_ = 	snop;
	(pc) =	sbr.ind lr, $3  }
0x3a: {  	_ = 	snop  }
0x3b: {  	_ = 	snop  }
0x3c: {  	p2 =	seq.s32 s10, $0x1;
	s10 =	sld [smem:$0x3FB3]  }
0x3d: {  	_ =	shalt  }
0x3e: {  	_ =	shalt  }
0x3f: {  	_ =	shalt  }
0x40: {  	_ =	shalt  }
0x41: {  	_ =	shalt  }
0x42: {  	_ =	shalt  }
0x43: {  	_ =	shalt  }
0x44: {  	_ =	shalt  }
0x45: {  	_ =	shalt  }
0x46: {  	_ =	shalt  }
0x47: {  	_ =	shalt  }
0x48: {  	_ =	shalt  }
0x49: {  	_ =	shalt  }
0x4a: {  	_ =	shalt  }
0x4b: {  	_ =	shalt  }
0x4c: {  	_ =	shalt  }
0x4d: {  	_ =	shalt  }
0x4e: {  	_ =	shalt  }
0x4f: {  	_ =	shalt  }
0x50: {  	_ =	shalt  }
0x51: {  	_ =	shalt  }
0x52: {  	_ =	shalt  }
0x53: {  	_ =	shalt  }
0x54: {  	_ =	shalt  }
0x55: {  	_ =	shalt  }
0x56: {  	_ =	shalt  }
0x57: {  	_ =	shalt  }
0x58: {  	_ =	shalt  }
0x59: {  	_ =	shalt  }
0x5a: {  	_ =	shalt  }
0x5b: {  	_ =	shalt  }
0x5c: {  	_ =	shalt  }
0x5d: {  	_ =	shalt  }
0x5e: {  	_ =	shalt  }
0x5f: {  	_ =	shalt  }
0x60: {  	_ =	shalt  }
0x61: {  	_ =	shalt  }
0x62: {  	_ =	shalt  }
0x63: {  	_ =	shalt  }
0x64: {  	_ =	shalt  }
0x65: {  	_ =	shalt  }
0x66: {  	_ =	shalt  }
0x67: {  	_ =	shalt  }
0x68: {  	_ =	shalt  }
0x69: {  	_ =	shalt  }
0x6a: {  	_ =	shalt  }
0x6b: {  	_ =	shalt  }
0x6c: {  	_ =	shalt  }
0x6d: {  	_ =	shalt  }
0x6e: {  	_ =	shalt  }
0x6f: {  	_ =	shalt  }
0x70: {  	_ =	shalt  }
0x71: {  	_ =	shalt  }
0x72: {  	_ =	shalt  }
0x73: {  	_ =	shalt  }
0x74: {  	_ =	shalt  }
0x75: {  	_ =	shalt  }
0x76: {  	_ =	shalt  }
0x77: {  	_ =	shalt  }
0x78: {  	_ =	shalt  }
0x79: {  	_ =	shalt  }
0x7a: {  	_ =	shalt  }
0x7b: {  	_ =	shalt  }
0x7c: {  	_ =	shalt  }
0x7d: {  	_ =	shalt  }
0x7e: {  	_ =	shalt  }
0x7f: {  	_ =	shalt  }
0x80: {  	_ =	shalt  }
0x81: {  	_ =	shalt  }
0x82: {  	_ =	shalt  }
0x83: {  	_ =	shalt  }
0x84: {  	_ =	shalt  }
0x85: {  	_ =	shalt  }
0x86: {  	_ =	shalt  }
0x87: {  	_ =	shalt  }
.Lfunc_end0:
.L_simem_size_0:
called_computation.1_lowered:
.L_overlay_start_0:
0x88: {  	s2 =	sld [smem:$0x3FD9]  }
0x89: {  	s3 =	sld [smem:$0x3FFE];
	_ =	sdelay $0x1  }
0x8a: {  	s1 =	srdreg.scid  }
0x8b: {  	s0 =	sand.u32 $0x1, s1  }
0x8c: {  	s17 =	sshll.u32 s0, $0xA;
	s2 =	sadd.s32 s3, s2  }
0x8d: {  	s2 =	sadd.s32 s2, s17  }
0x8e: {  	[smem:$0x3FBF] =	sst s2  }
0x8f: {  	_ = 	snop  }
0x90: {  	s2 =	sld [smem:$0x3FD0];
	(tm) =	ssettm $0x1  }
0x91: {  	s18 =	sld [smem:$0x3FFB];
	_ =	sdelay $0x3  }
0x92: {  	_ =	strace s18  }
0x93: {  	s3 =	sld [smem:$0x3FFC];
	_ =	sdelay $0x3  }
0x94: {  	_ =	strace s3  }
0x95: {  	s3 =	sld [smem:$0x3FFD];
	_ =	sdelay $0x3  }
0x96: {  	_ =	strace s3  }
0x97: {  	_ =	strace $0x8FFFFFFF  }
0x98: {  	s19 =	sld [smem:$0x3FDB];
	_ =	sdelay $0x1  }
0x99: {  	s4 =	simm.s32 $_scs_section_size  }
0x9a: {  	s5 =	simm.s32 $_size__tile_overlayer_lowered;
	s6 =	simm.s32 $_tile_overlayer_lowered  }
0x9b: {  	s22 =	simm.s32 $0x1BFF;
	s21 =	sshll.u32 s6, $0x1;
	s3 =	sadd.s32 s4, s19  }
0x9c: {  	s7 =	simm.s32 $0x0;
	s20 =	sshll.u32 s5, $0x1;
	s5 =	sadd.s32 s21, s3  }
0x9d: {  	[timem:s7], [sflag:s22] =	dma.local [hbm:s5], s20  }
0x9e: {  	_ =	swait.ge [sflag:s22], s20  }
0x9f: {  	s4 =	ssub.s32 $0x0, s20;
	[sflag:s22] =	ssyncset.done $0x0  }
0xa0: {  	[sflag:s22] =	ssyncadd.s32 s4;
	_ =	sdelay $0x1  }
0xa1: {  	s23 =	simm.s32 $0x1B8B  }
0xa2: {  	_ =	swait.ge [sflag:s23], $0x1  }
0xa3: {  	[sflag:s23] =	ssyncset.done $0x0  }
0xa4: {  	s25 =	simm.s32 $0x1B8E;
	s24 =	sld [smem:$0x3FFE];
	[sflag:s23] =	ssyncadd.s32 $0xFFFFFFFF  }
0xa5: {  	s26 =	simm.s32 $execute0_lowered;
	[smem:$0x3FD2] =	sst s25  }
0xa6: {  	s5 =	sshll.u32 s26, $0x1;
	_ =	strace $0x80000049;
	[dreg:$0x1] =	wrdreg $0xFFFFFFFF  }
0xa7: {  	s28 =	simm.s32 $_size_execute0_lowered;
	s3 =	sadd.s32 s3, s5;
	[dreg:$0x0] =	wrdreg $0x0  }
0xa8: {  	s5 =	sshll.u32 s28, $0x1;
	[dreg:$0x2] =	wrdreg s3  }
0xa9: {  	[dreg:$0x3] =	wrdreg s5  }
0xaa: {  	[dreg:$0x4] =	wrdreg $0xC0  }
0xab: {  	_ =	task [dreg:s7], $0x5FFFF  }
0xac: {  	[dreg:$0x1] =	wrdreg $0xFFFFFFFF  }
0xad: {  	[dreg:$0x0] =	wrdreg $0x60  }
0xae: {  	[dreg:$0x2] =	wrdreg s24  }
0xaf: {  	[dreg:$0x3] =	wrdreg s2  }
0xb0: {  	[dreg:$0x4] =	wrdreg $0x70000  }
0xb1: {  	[dreg:$0x5] =	wrdreg $0x9  }
0xb2: {  	_ =	task.clear_ibuf [dreg:s7], $0x6FFFF;
	_ =	strace $0x90000049  }
0xb3: {  	s29 =	simm.s32 $0x9;
	_ =	strace $0x8000004B  }
0xb4: {  	_ =	swait.ge [sflag:s29], $0x1  }
0xb5: {  	[sflag:s29] =	ssyncadd.s32 $0xFFFFFFFF  }
0xb6: {  	_ =	strace $0x9000004B  }
0xb7: {  	_ =	sfence  }
0xb8: {  	s30 =	sld [smem:$0x0];
	_ =	sdelay $0x2  }
0xb9: {  	s31 =	sshll.u32 s1, $0xD;
	s1 =	sshrl.u32 s1, $0x2  }
0xba: {  	s3 =	sand.u32 $0x4000, s31;
	s1 =	sadd.s32 s1, s30  }
0xbb: {  	s0 =	sor.u32 s3, s0;
	s1 =	sshll.u32 s1, $0x11  }
0xbc: {  	s0 =	sor.u32 s1, s0  }
0xbd: {  	s0 =	sadd.s32 $0x8F2B, s0  }
0xbe: {  	[sflag:s0] =	ssyncadd.remote.s32 $0x1  }
0xbf: {  	_ =	sfence.sel $0xFFFF  }
0xc0: {  	[dreg:$0x0] =	wrdreg $0xFFFFFFFF;
	(pc) =	sbr.abs _section_cstart, $3  }
0xc1: {  	[dreg:$0x1] =	wrdreg $0xFFFFFFFF  }
0xc2: {  	_ =	task.clear_ibuf [dreg:s7], $0x2FFFF;
	_ =	strace $0x9FFFFFFF  }
0xc3: {  	(tm) =	ssettm $0x7FFFFFFF  }
tec
execute0_lowered:
.L_overlay_start_1:
0x0: {  	(tag) =	ssettag $0x1  }
0x1: {  	s4 =	rddreg [dreg:$0x0]  }
0x2: {  	s10 =	rddreg [dreg:$0x1]  }
0x3: {  	s1 =	rddreg [dreg:$0x2]  }
0x4: {  	s0 =	rddreg [dreg:$0x3];
	s2 =	simm.s32 $0x0  }
0x5: {  	s3 =	srdreg.scid;
	s19 =	simm.s32 $0x1;
	s20 =	simm.s32 $0x50  }
0x6: {  	s21 =	simm.s32 $0x2;
	s22 =	simm.s32 $0x1E00;
	s7 =	sand.u32 $0x1, s3  }
0x7: {  	s23 =	simm.s32 $0x1E80;
	s3 =	stileid.u32;
	s5 =	smul.u32 $0x13600, s7  }
0x8: {  	[smem:$0x7FF] =	sst s2;
	s11 =	sadd.s32 $0x2C8E00, s4;
	s8 =	smul.u32 $0x1360, s3  }
0x9: {  	s16 =	sadd.s32 $0x27AC00, s4;
	s17 =	sadd.s32 $0x12C000, s1;
	s12 =	smul.u32 $0x28000, s3  }
0xa: {  	_ =	strace $0x8000004A;
	s6 =	sshll.u32 s3, $0xA;
	s15 =	smul.u32 $0x50000, s3  }
0xb: {  	s24 =	ssub.s32 $0x2, s7;
	s14 =	sshll.u32 s7, $0xA;
	s30 =	smul.u32 $0x136000, s7  }
0xc: {  	s28 =	sshll.u32 s7, $0x7;
	s18 =	smul.u32 $0x13600, s3;
	p0 =	seq.s32 s3, $0xF  }
0xd: {  	s9 =	sadd.s32 s6, s4;
	s13 =	sshrl.u32 s24, $0x1;
	s29 =	sadd.s32 s28, s16  }
0xe: {  	s13 =	ssub.s32 s24, s13;
	s25 =	sor.u32 s14, s12;
	s5 =	sadd.s32 s8, s5  }
0xf: {  	s26 =	sshrl.u32 s15, $0x2;
	s7 =	sadd.s32 $0x534E00, s9;
	s14 =	sshll.u32 @!p0 s3, $0x6  }
0x10: {  	s24 =	simm.s32 $0x0;
	s12 =	sshrl.u32 s25, $0x3;
	s15 =	sadd.s32 s26, s1  }
0x11: {  	s8 =	sshll.u32 s5, $0x4;
	s5 =	sadd.s32 $0x4B000, s29;
	s14 =	sor.u32 @!p0 $0x1C03, s14  }
0x12: {  	s4 =	sadd.s32 s16, s12;
	s6 =	sadd.s32 s11, s8;
	s9 =	sadd.s32 s10, s12  }
0x13: {  	s10 =	sadd.s32 s28, s10;
	s11 =	sadd.s32 s30, s11;
	s15 =	sshrl.u32 @!p0 s15, $0x3  }
0x14: {  	s16 =	simm.s32 $0x3;
	s8 =	sadd.s32 $0x13100, s6;
	s10 =	sadd.s32 $0x4B000, s10  }
0x15: {  	s31 =	sadd.s32 s18, s11;
	s11 =	smax.u32 s13, $0x1;
	s13 =	sshrl.u32 @p0 s17, $0x3  }
0x16: {  	s17 =	simm.s32 $0x2000;
	s18 =	simm.s32 $0x4800;
	s12 =	sadd.s32 $0xA00, s31  }
.LBB2_1:
0x17: {  	s25 =	simm.s32 @p0 $0x8  }
0x18: {  	s26 =	simm.s32 @p0 $0x80;
	s28 =	simm.s32 @p0 $0x100;
	s29 =	simm.s32 @p0 $0x1FC3  }
0x19: {  	[spmem:s13@s26], [sflag:s29] =	dma.strided @p0 [hbm:s5@s28], $0x1900, s25, $0x10   }
0x1a: {  	s25 =	simm.s32 @p0 $0x3  }
0x1b: {  	_ =	swait.ge @p0 [sflag:s25], $0x1900  }
0x1c: {  	s26 =	simm.s32 @!p0 $0x80;
	[sflag:s25] =	ssyncset.done @p0 $0x0  }
0x1d: {  	s28 =	simm.s32 @!p0 $0x100;
	[sflag:s25] =	ssyncadd.s32 @p0 $0xFFFFE700;
	s25 =	simm.s32 @!p0 $0x8  }
0x1e: {  	[spmem:s15@s26], [sflag:s14] =	dma.strided @!p0 [hbm:s4@s28], $0x2800, s25, $0x10   }
0x1f: {  	s25 =	simm.s32 @!p0 $0x3  }
0x20: {  	_ =	swait.ge @!p0 [sflag:s25], $0x2800  }
0x21: {  	[sflag:s25] =	ssyncset.done @!p0 $0x0  }
0x22: {  	[sflag:s25] =	ssyncadd.s32 @!p0 $0xFFFFD800  }
0x23: {  	[tilespmem:s2], [sflag:$0x3] =	stream.linear.gather [hbm4b:s7+s2], $0x1F00, $0x38;
	[tilespmem:$0x1A880] =	vst v63  }
0x24: {  	_ =	swait.ge [sflag:s16], $0x1F00  }
0x25: {  	[sflag:s16] =	ssyncset.done $0x0  }
0x26: {  	[sflag:s16] =	ssyncadd.s32 $0xFFFFE100  }
0x27: {  	[bflag:$0x0] =	sbarrier.arrive $0xFFFF  }
0x28: {  	[tilespmem:s17], [sflag:$0x1] =	stream.linear.gather [hbm4b:s6+s2], $0x2800, $0x38;
	[tilespmem:$0x1A880] =	vst v63  }
0x29: {  	s29 =	sadd.s32 $0xFFFFFB00, s12  }
0x2a: {  	[tilespmem:s18], [sflag:$0x2] =	stream.linear.gather [hbm4b:s29+s2], $0x2800, $0x38;
	[tilespmem:$0x1A880] =	vst v63  }
0x2b: {  	_ =	swait.ge [sflag:s19], $0x2800  }
0x2c: {  	[sflag:s19] =	ssyncset.done $0x0  }
0x2d: {  	s30 =	simm.s32 $0x0;
	[sflag:s19] =	ssyncadd.s32 $0xFFFFD800  }
0x2e: {  	[spmem:s1] =	stream.indirect.scatter.add.f32 [tilespmem:s17], [sflag:$0x3], $0x80, s30, s20, $0xb8;
	[tilespmem:$0x1A880] =	vst v63  }
0x2f: {  	_ =	swait.ge [sflag:s16], $0x2800  }
0x30: {  	[sflag:s16] =	ssyncset.done $0x0  }
0x31: {  	[sflag:s16] =	ssyncadd.s32 $0xFFFFD800  }
0x32: {  	[tilespmem:s17], [sflag:$0x1] =	stream.linear.gather [hbm4b:s12+s2], $0x2800, $0x38;
	[tilespmem:$0x1A880] =	vst v63  }
0x33: {  	_ =	swait.ge [sflag:s21], $0x2800  }
0x34: {  	[sflag:s21] =	ssyncset.done $0x0  }
0x35: {  	s31 =	simm.s32 $0x80;
	[sflag:s21] =	ssyncadd.s32 $0xFFFFD800  }
0x36: {  	[spmem:s1] =	stream.indirect.scatter.add.f32 [tilespmem:s18], [sflag:$0x3], $0x80, s31, s20, $0xb8;
	[tilespmem:$0x1A880] =	vst v63  }
0x37: {  	s26 =	simm.s32 $0x400;
	_ =	swait.ge [sflag:s16], $0x2800  }
0x38: {  	s28 =	simm.s32 $0x800;
	s25 =	sadd.s32 $0xA00, s12;
	[sflag:s16] =	ssyncset.done $0x0  }
.LBB2_2:
0x39: {  	p1 =	sne.s32 s28, $0x7400;
	s29 =	sadd.s32 $0xFFFFFB00, s25;
	[sflag:s16] =	ssyncadd.s32 $0xFFFFD800  }
0x3a: {  	[tilespmem:s18], [sflag:$0x2] =	stream.linear.gather [hbm4b:s29+s2], $0x2800, $0x38;
	[tilespmem:$0x1A880] =	vst v63  }
0x3b: {  	s29 =	smov.u32 s28;
	s28 =	sadd.s32 $0x400, s28;
	_ =	swait.ge [sflag:s19], $0x2800  }
0x3c: {  	[sflag:s19] =	ssyncset.done $0x0  }
0x3d: {  	s30 =	sshra.s32 s26, $0x2;
	s26 =	smov.u32 s29;
	[sflag:s19] =	ssyncadd.s32 $0xFFFFD800  }
0x3e: {  	[spmem:s1] =	stream.indirect.scatter.add.f32 [tilespmem:s17], [sflag:$0x3], $0x80, s30, s20, $0xb8;
	[tilespmem:$0x1A880] =	vst v63  }
0x3f: {  	_ =	swait.ge [sflag:s16], $0x2800  }
0x40: {  	[sflag:s16] =	ssyncset.done $0x0  }
0x41: {  	[sflag:s16] =	ssyncadd.s32 $0xFFFFD800  }
0x42: {  	[tilespmem:s17], [sflag:$0x1] =	stream.linear.gather [hbm4b:s25+s2], $0x2800, $0x38;
	[tilespmem:$0x1A880] =	vst v63  }
0x43: {  	_ =	swait.ge [sflag:s21], $0x2800  }
.Ltmp0:
0x44: {  	[sflag:s21] =	ssyncset.done $0x0;
	(pc) =	sbr.rel @p1 .LBB2_2-.Ltmp0, $4  }
0x45: {  	s29 =	sadd.s32 $0x80, s30;
	[sflag:s21] =	ssyncadd.s32 $0xFFFFD800  }
0x46: {  	[spmem:s1] =	stream.indirect.scatter.add.f32 [tilespmem:s18], [sflag:$0x3], $0x80, s29, s20, $0xb8;
	[tilespmem:$0x1A880] =	vst v63  }
0x47: {  	_ =	swait.ge [sflag:s16], $0x2800  }
0x48: {  	s25 =	sadd.s32 $0xA00, s25;
	[sflag:s16] =	ssyncset.done $0x0  }
0x49: {  	s28 =	sadd.s32 $0xFFFFFB00, s25;
	[sflag:s16] =	ssyncadd.s32 $0xFFFFD800  }
0x4a: {  	[tilespmem:s18], [sflag:$0x2] =	stream.linear.gather [hbm4b:s28+s2], $0x2800, $0x38;
	[tilespmem:$0x1A880] =	vst v63  }
0x4b: {  	_ =	swait.ge [sflag:s19], $0x2800  }
0x4c: {  	[sflag:s19] =	ssyncset.done $0x0  }
0x4d: {  	s26 =	sshra.s32 s26, $0x2;
	[sflag:s19] =	ssyncadd.s32 $0xFFFFD800  }
0x4e: {  	[spmem:s1] =	stream.indirect.scatter.add.f32 [tilespmem:s17], [sflag:$0x3], $0x80, s26, s20, $0xb8;
	[tilespmem:$0x1A880] =	vst v63  }
0x4f: {  	_ =	swait.ge [sflag:s16], $0x2800  }
0x50: {  	[sflag:s16] =	ssyncset.done $0x0  }
0x51: {  	[sflag:s16] =	ssyncadd.s32 $0xFFFFD800  }
0x52: {  	[tilespmem:s17], [sflag:$0x1] =	stream.linear.gather [hbm4b:s25+s2], $0x2800, $0x38;
	[tilespmem:$0x1A880] =	vst v63  }
0x53: {  	_ =	swait.ge [sflag:s21], $0x2800  }
0x54: {  	[sflag:s21] =	ssyncset.done $0x0  }
0x55: {  	s31 =	sadd.s32 $0x80, s26;
	[sflag:s21] =	ssyncadd.s32 $0xFFFFD800  }
0x56: {  	[spmem:s1] =	stream.indirect.scatter.add.f32 [tilespmem:s18], [sflag:$0x3], $0x80, s31, s20, $0xb8;
	[tilespmem:$0x1A880] =	vst v63  }
0x57: {  	_ =	swait.ge [sflag:s16], $0x2800  }
0x58: {  	[sflag:s16] =	ssyncset.done $0x0  }
0x59: {  	[sflag:s16] =	ssyncadd.s32 $0xFFFFD800  }
0x5a: {  	_ =	swait.ge [sflag:s19], $0x2800  }
0x5b: {  	[sflag:s19] =	ssyncset.done $0x0  }
0x5c: {  	[sflag:s19] =	ssyncadd.s32 $0xFFFFD800  }
0x5d: {  	[spmem:s1] =	stream.indirect.scatter.add.f32 [tilespmem:s17], [sflag:$0x3], $0x80, s22, s20, $0xb8;
	[tilespmem:$0x1A880] =	vst v63  }
0x5e: {  	_ =	swait.ge [sflag:s16], $0x2800  }
0x5f: {  	[sflag:s16] =	ssyncset.done $0x0  }
0x60: {  	[sflag:s16] =	ssyncadd.s32 $0xFFFFD800  }
0x61: {  	[tilespmem:s18], [sflag:$0x3] =	stream.linear.gather [hbm4b:s8+s2], $0x2800, $0x38;
	[tilespmem:$0x1A880] =	vst v63  }
0x62: {  	_ =	swait.ge [sflag:s16], $0x2800  }
0x63: {  	[sflag:s16] =	ssyncset.done $0x0  }
0x64: {  	[sflag:s16] =	ssyncadd.s32 $0xFFFFD800  }
0x65: {  	[spmem:s1] =	stream.indirect.scatter.add.f32 [tilespmem:s18], [sflag:$0x3], $0x80, s23, s20, $0xb8;
	[tilespmem:$0x1A880] =	vst v63  }
0x66: {  	_ =	swait.ge [sflag:s16], $0x2800  }
0x67: {  	[sflag:s16] =	ssyncset.done $0x0  }
0x68: {  	s29 =	simm.s32 @p0 $0x1FC3;
	s28 =	simm.s32 @p0 $0x80;
	[sflag:s16] =	ssyncadd.s32 $0xFFFFD800  }
0x69: {  	s26 =	simm.s32 @p0 $0x100;
	s25 =	simm.s32 @p0 $0x8;
	[bflag:$0x0] =	sbarrier.arrive $0xFFFF  }
0x6a: {  	[hbm:s10@s26], [sflag:s29] =	dma.strided @p0 [spmem:s13@s28], $0x1900, s25, $0x10   }
0x6b: {  	s25 =	simm.s32 @p0 $0x3  }
0x6c: {  	s24 =	sadd.s32 $0x1, s24;
	_ =	swait.ge @p0 [sflag:s25], $0x1900  }
0x6d: {  	p1 =	sne.s32 s24, s11;
	s26 =	simm.s32 @!p0 $0x100;
	[sflag:s25] =	ssyncset.done @p0 $0x0  }
0x6e: {  	s28 =	simm.s32 @!p0 $0x80;
	[sflag:s25] =	ssyncadd.s32 @p0 $0xFFFFE700;
	s25 =	simm.s32 @!p0 $0x8  }
0x6f: {  	[hbm:s9@s26], [sflag:s14] =	dma.strided @!p0 [spmem:s15@s28], $0x2800, s25, $0x10   }
.Ltmp1:
0x70: {  	_ = 	snop;
	(pc) =	sbr.rel @p1 .LBB2_1-.Ltmp1, $4  }
0x71: {  	s25 =	simm.s32 @!p0 $0x3  }
0x72: {  	_ =	swait.ge @!p0 [sflag:s25], $0x2800  }
0x73: {  	[sflag:s25] =	ssyncset.done @!p0 $0x0  }
0x74: {  	[sflag:s25] =	ssyncadd.s32 @!p0 $0xFFFFD800  }
0x75: {  	_ =	sfence.sel $0x180000  }
0x76: {  	[bflag:$0x0] =	sbarrier.arrive $0xFFFF  }
0x77: {  	p0 =	sne.s32 s3, $0x0;
	_ =	strace $0x9000004A  }
0x78: {  	s0 =	sadd.s32 @!p0 $0x100000, s0;
	[bflag:$0x2] =	sbarrier.arrive $0xFFFF  }
0x79: {  	[sflag:s0] =	ssyncadd.tile.s32 @!p0 $0x1;
	_ =	shalt  }
.Lfunc_end2:
_tile_overlayer_lowered:
.L_overlay_start_2:
0x7a: {  	(tag) =	ssettag $0x2  }
0x7b: {  	s0 =	rddreg [dreg:$0x0];
	s2 =	stileid.u32  }
0x7c: {  	s1 =	rddreg [dreg:$0x1];
	p0 =	sne.s32 s2, $0x0  }
0x7d: {  	s3 =	rddreg [dreg:$0x2];
	[bflag:$0x3] =	sbarrier.arrive $0xFFFF;
	s2 =	simm.s32 @!p0 $0x1C03  }
0x7e: {  	[timem:s3], [sflag:s2] =	dma.local @!p0 [hbm:s0], s1  }
0x7f: {  	s0 =	simm.s32 @!p0 $0x3  }
0x80: {  	_ =	swait.ge @!p0 [sflag:s0], s1  }
0x81: {  	s1 =	ssub.s32 @!p0 $0x0, s1;
	[sflag:s0] =	ssyncset.done @!p0 $0x0  }
0x82: {  	[sflag:s0] =	ssyncadd.s32 @!p0 s1  }
0x83: {  	[bflag:$0x3] =	sbarrier.arrive $0xFFFF  }
0x84: {  	_ =	shalt  }

</sc_bundles>
